<compile_context>
chip_gen: v7x
topology: tpu7x:2x2x1
jax: 0.10.2.dev20260603
libtpu: 0.0.44.dev20260713+nightly
codegen_flags: <defaults>
</compile_context>

<pallas_src>
import functools

import jax
import jax.numpy as jnp
from jax import lax
from jax.experimental import pallas as pl
from jax.experimental.pallas import tpu as pltpu
from jax.experimental.pallas import tpu_sc as plsc

_B = 256
_W = 4
_NCH = 4
_NCO = 3
_D = 300
_NCOMPO = 20000
_NCHAR = 5000
_NC = 2
_NS = 16
_NW = _NC * _NS
_BPW = _B // _NW
_L = 16

_VB = 4096
_NA = -(-_NCOMPO // _VB)
_NB = 4
_NBLK = (_B * _W) // _NB


def _sc_body(widx_hbm, word_hbm, wctx_out, widx_v, wrows_v, wsem):
    wid = lax.axis_index("s") * _NC + lax.axis_index("c")
    nw = _BPW * _W

    pltpu.sync_copy(widx_hbm.at[pl.ds(wid * nw, nw)], widx_v)

    def _scalars(ref, n):
        vals = [None] * n
        starts = sorted({*range(0, n - _L + 1, _L), n - _L})
        for s in starts:
            v = ref[pl.ds(s, _L)]
            for l in range(_L):
                if vals[s + l] is None:
                    vals[s + l] = v[l]
        return vals

    wids = _scalars(widx_v, nw)

    wd = [pltpu.async_copy(word_hbm.at[pl.ds(wids[r], 1)],
                           wrows_v.at[pl.ds(r, 1)], wsem)
          for r in range(nw)]
    for d in wd:
        d.wait()
    pltpu.sync_copy(wrows_v, wctx_out.at[pl.ds(wid * nw, nw)])


@functools.lru_cache(maxsize=1)
def _get_sc_gather():
    return functools.partial(
        pl.kernel,
        out_type=jax.ShapeDtypeStruct((_B * _W, _D), jnp.float32),
        mesh=plsc.VectorSubcoreMesh(core_axis_name="c", subcore_axis_name="s"),
        scratch_types=[
            pltpu.VMEM((_BPW * _W,), jnp.int32),
            pltpu.VMEM((_BPW * _W, _D), jnp.float32),
            pltpu.SemaphoreType.DMA,
        ],
    )(_sc_body)


_NAC = -(-_NCHAR // _VB)


def _onehot_accum(ids_ref, tbl_ref, nids, step, out_ref, first):
    v0 = step * _VB
    iota_v = lax.broadcasted_iota(jnp.int32, (_VB, _B), 0)
    cm = ids_ref[...]
    cma = jnp.where(cm == 1, -2, cm) - v0
    o = jnp.zeros((_VB, _B), jnp.float32)
    for j in range(nids):
        ids = cma[:, j][None, :]
        o = o + (iota_v == ids).astype(jnp.float32)
    blk = tbl_ref[...]
    blk = jnp.where(jnp.isfinite(blk), blk, 0.0).astype(jnp.bfloat16)
    part = lax.dot_general(blk, o.astype(jnp.bfloat16),
                           (((1,), (0,)), ((), ())),
                           preferred_element_type=jnp.float32)

    @pl.when(first)
    def _():
        out_ref[...] = part

    @pl.when(jnp.logical_not(first))
    def _():
        out_ref[...] = out_ref[...] + part


def _tca_body(cm_ref, ch_ref, compot_ref, chart_ref, out_ref):
    i = pl.program_id(0)

    @pl.when(i < _NA)
    def _compo():
        _onehot_accum(cm_ref, compot_ref, _NCO, i, out_ref, i == 0)

    @pl.when(i >= _NA)
    def _char():
        _onehot_accum(ch_ref, chart_ref, _NCH, i - _NA, out_ref, i == 0)


_tc_compo = pl.pallas_call(
    _tca_body,
    grid=(_NA + _NAC,),
    in_specs=[
        pl.BlockSpec((_B, _NCO), lambda i: (0, 0)),
        pl.BlockSpec((_B, _NCH), lambda i: (0, 0)),
        pl.BlockSpec((_D, _VB), lambda i: (0, jnp.minimum(i, _NA - 1))),
        pl.BlockSpec((_D, _VB),
                     lambda i: (0, jnp.clip(i - _NA, 0, _NAC - 1))),
    ],
    out_specs=pl.BlockSpec((_D, _B), lambda i: (0, 0)),
    out_shape=jax.ShapeDtypeStruct((_D, _B), jnp.float32),
)


def _tcb_body(cw_ref, tgtct_ref, wctx_ref, noise_ref, out_ref, tgtb_acc):
    i = pl.program_id(0)

    @pl.when(i == 0)
    def _start():
        tgtb = tgtct_ref[...].T.astype(jnp.bfloat16)
        tgtb_acc[...] = tgtb
        dfull = lax.dot_general(tgtb, wctx_ref[...].astype(jnp.bfloat16),
                                (((1,), (1,)), ((), ())),
                                preferred_element_type=jnp.float32)
        row = lax.broadcasted_iota(jnp.int32, (_B, _B * _W), 0)
        col = lax.broadcasted_iota(jnp.int32, (_B, _B * _W), 1)
        masked = jnp.where((col // _W) == row, dfull, 0.0)
        gsel = ((lax.broadcasted_iota(jnp.int32, (_B * _W, _W), 0) % _W) ==
                lax.broadcasted_iota(jnp.int32, (_B * _W, _W), 1)
                ).astype(jnp.bfloat16)
        dots = lax.dot_general(masked.astype(jnp.bfloat16), gsel,
                               (((1,), (0,)), ((), ())),
                               preferred_element_type=jnp.float32)
        mask = (cw_ref[...] != 1).astype(jnp.float32)
        dots = dots * mask
        sd = 1.0 / (1.0 + jnp.exp(-dots))
        out_ref[...] = jnp.sum(jnp.log(sd)).reshape(1, 1)

    nf = noise_ref[...].astype(jnp.bfloat16)
    s = -lax.dot_general(tgtb_acc[...], nf, (((1,), (1,)), ((), ())),
                         preferred_element_type=jnp.float32)
    sig = 1.0 / (1.0 + jnp.exp(-s))
    out_ref[...] = out_ref[...] + jnp.sum(jnp.log(sig + 1e-32))

    @pl.when(i == _NB - 1)
    def _fin():
        out_ref[...] = out_ref[...] * (-1.0 / _B)


_tc_loss = pl.pallas_call(
    _tcb_body,
    grid=(_NB,),
    in_specs=[
        pl.BlockSpec((_B, _W), lambda i: (0, 0)),
        pl.BlockSpec((_D, _B), lambda i: (0, 0)),
        pl.BlockSpec((_B * _W, _D), lambda i: (0, 0)),
        pl.BlockSpec((_NBLK, _D), lambda i: (i, 0)),
    ],
    out_specs=pl.BlockSpec((1, 1), lambda i: (0, 0)),
    out_shape=jax.ShapeDtypeStruct((1, 1), jnp.float32),
    scratch_shapes=[
        pltpu.VMEM((_B, _D), jnp.bfloat16),
    ],
)


def kernel(tgt_chars, tgt_compos, ctx_words, noise, word_emb, char_emb,
           compo_emb):
    widx = ctx_words.reshape(-1).astype(jnp.int32)
    wctx = _get_sc_gather()(widx, word_emb)
    noise2 = noise.reshape(_B * _W, _D).astype(jnp.int32)
    tgt_t = _tc_compo(tgt_compos.astype(jnp.int32),
                      tgt_chars.astype(jnp.int32), compo_emb.T, char_emb.T)
    loss2d = _tc_loss(ctx_words.astype(jnp.int32), tgt_t, wctx, noise2)
    return loss2d[0, 0]

# --- scband reference (transcript-rebuilt; emitter-appended) ---
"""Pipeline reference for scband-fluid-vec-sg-61718680043552 (READ-ONLY COPY).

The authoritative reference and input builder live on the scoring server;
editing this copy changes nothing except your own understanding.
"""

import jax, jax.numpy as jnp
import numpy as np

N_WORD = 2010
N_CHAR = 5000
N_COMPO = 20000
DIM = 300
B = 256
W = 4
NCH = 4
NCO = 3
N_NEG = int(N_WORD ** 0.75)  # = 300 == DIM (required by the original broadcast)


def setup_inputs(seed: int = 0) -> dict:
    key = jax.random.key(seed)
    ks = jax.random.split(key, 7)
    tgt_chars = jax.random.randint(ks[0], (B, NCH), 0, N_CHAR)
    tgt_compos = jax.random.randint(ks[1], (B, NCO), 0, N_COMPO)
    ctx_words = jax.random.randint(ks[2], (B, W), 0, N_WORD)
    # original draws noise via torch.multinomial over uniform weights == uniform randint;
    # pre-drawn here for determinism
    noise = jax.random.randint(ks[3], (B, W, N_NEG), 0, N_WORD)
    scale = 0.02
    word_emb = jax.random.normal(ks[4], (N_WORD, DIM), dtype=jnp.float32) * scale
    char_emb = jax.random.normal(ks[5], (N_CHAR, DIM), dtype=jnp.float32) * scale
    compo_emb = jax.random.normal(ks[6], (N_COMPO, DIM), dtype=jnp.float32) * scale
    return {
        'tgt_chars': tgt_chars,
        'tgt_compos': tgt_compos,
        'ctx_words': ctx_words,
        'noise': noise,
        'word_emb': word_emb,
        'char_emb': char_emb,
        'compo_emb': compo_emb,
    }


def _masked_sum_embedding(table, idx):
    # build_embedding: sum of rows, dropping index==1 (padding id)
    vecs = jnp.take(table, idx, axis=0)
    mask = (idx != 1)[..., None].astype(vecs.dtype)
    return (vecs * mask).sum(axis=-2)


def reference(tgt_chars, tgt_compos, ctx_words, noise, word_emb, char_emb, compo_emb):
    # tgt = compo_vec + char_vec per target entry  -> [B, D]
    tgt = _masked_sum_embedding(compo_emb, tgt_compos) + _masked_sum_embedding(char_emb, tgt_chars)
    # ctx: each window slot is a single word embedding (masked if ==1) -> [B, W, D]
    ctx_vecs = jnp.take(word_emb, ctx_words, axis=0)
    ctx = ctx_vecs * (ctx_words != 1)[..., None].astype(ctx_vecs.dtype)
    # log_target = sum log sigmoid( <tgt, ctx> )
    dots = (tgt[:, None, :] * ctx).sum(axis=2)  # [B, W]
    log_target = jnp.log(jax.nn.sigmoid(dots)).sum()
    # faithful reproduction of original: raw integer noise ids multiplied against tgt
    # tgt[B,1,1,D] * noise[B,W,N_NEG] broadcasts to [B,B,W,D] since N_NEG == D
    noise_f = noise.astype(tgt.dtype)
    s = -(tgt[:, None, None, :] * noise_f).sum(axis=3)  # [B, B, W]
    sum_log_noise = jnp.log(jax.nn.sigmoid(s) + 1e-32).sum()
    loss = -(log_target + sum_log_noise) / B
    return loss

if __name__ == "__main__":
    import jax
    _d = setup_inputs()
    print(jax.jit(kernel)(*tuple(_d.values())))

</pallas_src>

<mosaic_0001>
#map = affine_map<(d0, d1) -> (0)>
#map1 = affine_map<(d0, d1) -> (0, 0)>
module attributes {stable_mosaic.version = 14 : i64} {
  func.func @_sc_body(%arg0: i32, %arg1: i32, %arg2: memref<1024xi32, #tpu.memory_space<hbm>>, %arg3: memref<2010x300xf32, #tpu.memory_space<hbm>>, %arg4: memref<1024x300xf32, #tpu.memory_space<hbm>>, %arg5: memref<32xi32, #tpu.memory_space<vmem>>, %arg6: memref<32x300xf32, #tpu.memory_space<vmem>>, %arg7: memref<!tpu.dma_semaphore, #tpu.memory_space<semaphore_mem>>) attributes {dimension_semantics = [#tpu.dimension_semantics<core_parallel>, #tpu.dimension_semantics<subcore_parallel>], iteration_bounds = array<i64: 2, 16>, scalar_prefetch = 0 : i64, scratch_operands = 3 : i64, tpu.core_type = #tpu.core_type<sc_vector_subcore>, window_params = [{transform_indices = #map}, {transform_indices = #map1}, {transform_indices = #map1}]} {
    %mul3A = arith.constant 2 : i32
    %mul3A_0 = arith.muli %arg1, %mul3A : i32
    %add3A = arith.addi %mul3A_0, %arg0 : i32
    %mul3A_1 = arith.constant 32 : i32
    %mul3A_2 = arith.muli %add3A, %mul3A_1 : i32
    "tpu.region"() ({
      %run_scoped3A = tpu.sem_alloc : memref<!tpu.dma_semaphore, #tpu.memory_space<semaphore_mem>>
      %dma_start3A_710 = tpu.memref_slice %arg2[%mul3A_2] : memref<1024xi32, #tpu.memory_space<hbm>> -> memref<32xi32, #tpu.memory_space<hbm>>
      %dma_start3A_711 = tpu.memref_slice %arg2[%mul3A_2] : memref<1024xi32, #tpu.memory_space<hbm>> -> memref<32xi32, #tpu.memory_space<hbm>>
      tpu.enqueue_dma source(%dma_start3A_711 : memref<32xi32, #tpu.memory_space<hbm>>) target(%arg5 : memref<32xi32, #tpu.memory_space<vmem>>) target_semaphore(%run_scoped3A : memref<!tpu.dma_semaphore, #tpu.memory_space<semaphore_mem>>)
      %dma_wait3A_712 = tpu.memref_slice %arg2[%mul3A_2] : memref<1024xi32, #tpu.memory_space<hbm>> -> memref<32xi32, #tpu.memory_space<hbm>>
      %dma_wait3A_713 = tpu.memref_slice %arg2[%mul3A_2] : memref<1024xi32, #tpu.memory_space<hbm>> -> memref<32xi32, #tpu.memory_space<hbm>>
      tpu.wait_dma2 semaphore(%run_scoped3A : memref<!tpu.dma_semaphore, #tpu.memory_space<semaphore_mem>>) src(%dma_wait3A_713 : memref<32xi32, #tpu.memory_space<hbm>>) dst(%arg5 : memref<32xi32, #tpu.memory_space<vmem>>)
      tpu.yield
    }) : () -> ()
    %get3A = arith.constant 0 : index
    %get3A_3 = tpu.vector_load %arg5[%get3A] {strides = array<i32>} : memref<32xi32, #tpu.memory_space<vmem>>, vector<16xi32>,
    %get3A_4 = vector.shape_cast %get3A_3 : vector<16xi32> to vector<16xi32>
    %slice3A = vector.extract_strided_slice %get3A_4 {offsets = [0], sizes = [1], strides = [1]} : vector<16xi32> to vector<1xi32>
    %squeeze3A = vector.extract %slice3A[0] : i32 from vector<1xi32>
    %slice3A_5 = vector.extract_strided_slice %get3A_4 {offsets = [1], sizes = [1], strides = [1]} : vector<16xi32> to vector<1xi32>
    %squeeze3A_6 = vector.extract %slice3A_5[0] : i32 from vector<1xi32>
    %slice3A_7 = vector.extract_strided_slice %get3A_4 {offsets = [2], sizes = [1], strides = [1]} : vector<16xi32> to vector<1xi32>
    %squeeze3A_8 = vector.extract %slice3A_7[0] : i32 from vector<1xi32>
    %slice3A_9 = vector.extract_strided_slice %get3A_4 {offsets = [3], sizes = [1], strides = [1]} : vector<16xi32> to vector<1xi32>
    %squeeze3A_10 = vector.extract %slice3A_9[0] : i32 from vector<1xi32>
    %slice3A_11 = vector.extract_strided_slice %get3A_4 {offsets = [4], sizes = [1], strides = [1]} : vector<16xi32> to vector<1xi32>
    %squeeze3A_12 = vector.extract %slice3A_11[0] : i32 from vector<1xi32>
    %slice3A_13 = vector.extract_strided_slice %get3A_4 {offsets = [5], sizes = [1], strides = [1]} : vector<16xi32> to vector<1xi32>
    %squeeze3A_14 = vector.extract %slice3A_13[0] : i32 from vector<1xi32>
    %slice3A_15 = vector.extract_strided_slice %get3A_4 {offsets = [6], sizes = [1], strides = [1]} : vector<16xi32> to vector<1xi32>
    %squeeze3A_16 = vector.extract %slice3A_15[0] : i32 from vector<1xi32>
    %slice3A_17 = vector.extract_strided_slice %get3A_4 {offsets = [7], sizes = [1], strides = [1]} : vector<16xi32> to vector<1xi32>
    %squeeze3A_18 = vector.extract %slice3A_17[0] : i32 from vector<1xi32>
    %slice3A_19 = vector.extract_strided_slice %get3A_4 {offsets = [8], sizes = [1], strides = [1]} : vector<16xi32> to vector<1xi32>
    %squeeze3A_20 = vector.extract %slice3A_19[0] : i32 from vector<1xi32>
    %slice3A_21 = vector.extract_strided_slice %get3A_4 {offsets = [9], sizes = [1], strides = [1]} : vector<16xi32> to vector<1xi32>
    %squeeze3A_22 = vector.extract %slice3A_21[0] : i32 from vector<1xi32>
    %slice3A_23 = vector.extract_strided_slice %get3A_4 {offsets = [10], sizes = [1], strides = [1]} : vector<16xi32> to vector<1xi32>
    %squeeze3A_24 = vector.extract %slice3A_23[0] : i32 from vector<1xi32>
    %slice3A_25 = vector.extract_strided_slice %get3A_4 {offsets = [11], sizes = [1], strides = [1]} : vector<16xi32> to vector<1xi32>
    %squeeze3A_26 = vector.extract %slice3A_25[0] : i32 from vector<1xi32>
    %slice3A_27 = vector.extract_strided_slice %get3A_4 {offsets = [12], sizes = [1], strides = [1]} : vector<16xi32> to vector<1xi32>
    %squeeze3A_28 = vector.extract %slice3A_27[0] : i32 from vector<1xi32>
    %slice3A_29 = vector.extract_strided_slice %get3A_4 {offsets = [13], sizes = [1], strides = [1]} : vector<16xi32> to vector<1xi32>
    %squeeze3A_30 = vector.extract %slice3A_29[0] : i32 from vector<1xi32>
    %slice3A_31 = vector.extract_strided_slice %get3A_4 {offsets = [14], sizes = [1], strides = [1]} : vector<16xi32> to vector<1xi32>
    %squeeze3A_32 = vector.extract %slice3A_31[0] : i32 from vector<1xi32>
    %slice3A_33 = vector.extract_strided_slice %get3A_4 {offsets = [15], sizes = [1], strides = [1]} : vector<16xi32> to vector<1xi32>
    %squeeze3A_34 = vector.extract %slice3A_33[0] : i32 from vector<1xi32>
    %get3A_35 = arith.constant 16 : index
    %get3A_36 = tpu.vector_load %arg5[%get3A_35] {strides = array<i32>} : memref<32xi32, #tpu.memory_space<vmem>>, vector<16xi32>,
    %get3A_37 = vector.shape_cast %get3A_36 : vector<16xi32> to vector<16xi32>
    %slice3A_38 = vector.extract_strided_slice %get3A_37 {offsets = [0], sizes = [1], strides = [1]} : vector<16xi32> to vector<1xi32>
    %squeeze3A_39 = vector.extract %slice3A_38[0] : i32 from vector<1xi32>
    %slice3A_40 = vector.extract_strided_slice %get3A_37 {offsets = [1], sizes = [1], strides = [1]} : vector<16xi32> to vector<1xi32>
    %squeeze3A_41 = vector.extract %slice3A_40[0] : i32 from vector<1xi32>
    %slice3A_42 = vector.extract_strided_slice %get3A_37 {offsets = [2], sizes = [1], strides = [1]} : vector<16xi32> to vector<1xi32>
    %squeeze3A_43 = vector.extract %slice3A_42[0] : i32 from vector<1xi32>
    %slice3A_44 = vector.extract_strided_slice %get3A_37 {offsets = [3], sizes = [1], strides = [1]} : vector<16xi32> to vector<1xi32>
    %squeeze3A_45 = vector.extract %slice3A_44[0] : i32 from vector<1xi32>
    %slice3A_46 = vector.extract_strided_slice %get3A_37 {offsets = [4], sizes = [1], strides = [1]} : vector<16xi32> to vector<1xi32>
    %squeeze3A_47 = vector.extract %slice3A_46[0] : i32 from vector<1xi32>
    %slice3A_48 = vector.extract_strided_slice %get3A_37 {offsets = [5], sizes = [1], strides = [1]} : vector<16xi32> to vector<1xi32>
    %squeeze3A_49 = vector.extract %slice3A_48[0] : i32 from vector<1xi32>
    %slice3A_50 = vector.extract_strided_slice %get3A_37 {offsets = [6], sizes = [1], strides = [1]} : vector<16xi32> to vector<1xi32>
    %squeeze3A_51 = vector.extract %slice3A_50[0] : i32 from vector<1xi32>
    %slice3A_52 = vector.extract_strided_slice %get3A_37 {offsets = [7], sizes = [1], strides = [1]} : vector<16xi32> to vector<1xi32>
    %squeeze3A_53 = vector.extract %slice3A_52[0] : i32 from vector<1xi32>
    %slice3A_54 = vector.extract_strided_slice %get3A_37 {offsets = [8], sizes = [1], strides = [1]} : vector<16xi32> to vector<1xi32>
    %squeeze3A_55 = vector.extract %slice3A_54[0] : i32 from vector<1xi32>
    %slice3A_56 = vector.extract_strided_slice %get3A_37 {offsets = [9], sizes = [1], strides = [1]} : vector<16xi32> to vector<1xi32>
    %squeeze3A_57 = vector.extract %slice3A_56[0] : i32 from vector<1xi32>
    %slice3A_58 = vector.extract_strided_slice %get3A_37 {offsets = [10], sizes = [1], strides = [1]} : vector<16xi32> to vector<1xi32>
    %squeeze3A_59 = vector.extract %slice3A_58[0] : i32 from vector<1xi32>
    %slice3A_60 = vector.extract_strided_slice %get3A_37 {offsets = [11], sizes = [1], strides = [1]} : vector<16xi32> to vector<1xi32>
    %squeeze3A_61 = vector.extract %slice3A_60[0] : i32 from vector<1xi32>
    %slice3A_62 = vector.extract_strided_slice %get3A_37 {offsets = [12], sizes = [1], strides = [1]} : vector<16xi32> to vector<1xi32>
    %squeeze3A_63 = vector.extract %slice3A_62[0] : i32 from vector<1xi32>
    %slice3A_64 = vector.extract_strided_slice %get3A_37 {offsets = [13], sizes = [1], strides = [1]} : vector<16xi32> to vector<1xi32>
    %squeeze3A_65 = vector.extract %slice3A_64[0] : i32 from vector<1xi32>
    %slice3A_66 = vector.extract_strided_slice %get3A_37 {offsets = [14], sizes = [1], strides = [1]} : vector<16xi32> to vector<1xi32>
    %squeeze3A_67 = vector.extract %slice3A_66[0] : i32 from vector<1xi32>
    %slice3A_68 = vector.extract_strided_slice %get3A_37 {offsets = [15], sizes = [1], strides = [1]} : vector<16xi32> to vector<1xi32>
    %squeeze3A_69 = vector.extract %slice3A_68[0] : i32 from vector<1xi32>
    %dma_start3A = arith.constant 0 : i32
    %dma_start3A_70 = arith.constant 0 : i32
    %dma_start3A_71 = tpu.memref_slice %arg6[%dma_start3A, %dma_start3A_70] : memref<32x300xf32, #tpu.memory_space<vmem>> -> memref<1x300xf32, #tpu.memory_space<vmem>>
    %dma_start3A_72 = arith.constant 0 : i32
    %dma_start3A_73 = tpu.memref_slice %arg3[%squeeze3A, %dma_start3A_72] : memref<2010x300xf32, #tpu.memory_space<hbm>> -> memref<1x300xf32, #tpu.memory_space<hbm>>
    %dma_start3A_74 = arith.constant 0 : i32
    %dma_start3A_75 = arith.constant 0 : i32
    %dma_start3A_76 = tpu.memref_slice %arg6[%dma_start3A_74, %dma_start3A_75] : memref<32x300xf32, #tpu.memory_space<vmem>> -> memref<1x300xf32, #tpu.memory_space<vmem>>
    %dma_start3A_77 = arith.constant 0 : i32
    %dma_start3A_78 = tpu.memref_slice %arg3[%squeeze3A, %dma_start3A_77] : memref<2010x300xf32, #tpu.memory_space<hbm>> -> memref<1x300xf32, #tpu.memory_space<hbm>>
    tpu.enqueue_dma source(%dma_start3A_78 : memref<1x300xf32, #tpu.memory_space<hbm>>) target(%dma_start3A_76 : memref<1x300xf32, #tpu.memory_space<vmem>>) target_semaphore(%arg7 : memref<!tpu.dma_semaphore, #tpu.memory_space<semaphore_mem>>)
    %dma_start3A_79 = arith.constant 1 : i32
    %dma_start3A_80 = arith.constant 0 : i32
    %dma_start3A_81 = tpu.memref_slice %arg6[%dma_start3A_79, %dma_start3A_80] : memref<32x300xf32, #tpu.memory_space<vmem>> -> memref<1x300xf32, #tpu.memory_space<vmem>>
    %dma_start3A_82 = arith.constant 0 : i32
    %dma_start3A_83 = tpu.memref_slice %arg3[%squeeze3A_6, %dma_start3A_82] : memref<2010x300xf32, #tpu.memory_space<hbm>> -> memref<1x300xf32, #tpu.memory_space<hbm>>
    %dma_start3A_84 = arith.constant 1 : i32
    %dma_start3A_85 = arith.constant 0 : i32
    %dma_start3A_86 = tpu.memref_slice %arg6[%dma_start3A_84, %dma_start3A_85] : memref<32x300xf32, #tpu.memory_space<vmem>> -> memref<1x300xf32, #tpu.memory_space<vmem>>
    %dma_start3A_87 = arith.constant 0 : i32
    %dma_start3A_88 = tpu.memref_slice %arg3[%squeeze3A_6, %dma_start3A_87] : memref<2010x300xf32, #tpu.memory_space<hbm>> -> memref<1x300xf32, #tpu.memory_space<hbm>>
    tpu.enqueue_dma source(%dma_start3A_88 : memref<1x300xf32, #tpu.memory_space<hbm>>) target(%dma_start3A_86 : memref<1x300xf32, #tpu.memory_space<vmem>>) target_semaphore(%arg7 : memref<!tpu.dma_semaphore, #tpu.memory_space<semaphore_mem>>)
    %dma_start3A_89 = arith.constant 2 : i32
    %dma_start3A_90 = arith.constant 0 : i32
    %dma_start3A_91 = tpu.memref_slice %arg6[%dma_start3A_89, %dma_start3A_90] : memref<32x300xf32, #tpu.memory_space<vmem>> -> memref<1x300xf32, #tpu.memory_space<vmem>>
    %dma_start3A_92 = arith.constant 0 : i32
    %dma_start3A_93 = tpu.memref_slice %arg3[%squeeze3A_8, %dma_start3A_92] : memref<2010x300xf32, #tpu.memory_space<hbm>> -> memref<1x300xf32, #tpu.memory_space<hbm>>
    %dma_start3A_94 = arith.constant 2 : i32
    %dma_start3A_95 = arith.constant 0 : i32
    %dma_start3A_96 = tpu.memref_slice %arg6[%dma_start3A_94, %dma_start3A_95] : memref<32x300xf32, #tpu.memory_space<vmem>> -> memref<1x300xf32, #tpu.memory_space<vmem>>
    %dma_start3A_97 = arith.constant 0 : i32
    %dma_start3A_98 = tpu.memref_slice %arg3[%squeeze3A_8, %dma_start3A_97] : memref<2010x300xf32, #tpu.memory_space<hbm>> -> memref<1x300xf32, #tpu.memory_space<hbm>>
    tpu.enqueue_dma source(%dma_start3A_98 : memref<1x300xf32, #tpu.memory_space<hbm>>) target(%dma_start3A_96 : memref<1x300xf32, #tpu.memory_space<vmem>>) target_semaphore(%arg7 : memref<!tpu.dma_semaphore, #tpu.memory_space<semaphore_mem>>)
    %dma_start3A_99 = arith.constant 3 : i32
    %dma_start3A_100 = arith.constant 0 : i32
    %dma_start3A_101 = tpu.memref_slice %arg6[%dma_start3A_99, %dma_start3A_100] : memref<32x300xf32, #tpu.memory_space<vmem>> -> memref<1x300xf32, #tpu.memory_space<vmem>>
    %dma_start3A_102 = arith.constant 0 : i32
    %dma_start3A_103 = tpu.memref_slice %arg3[%squeeze3A_10, %dma_start3A_102] : memref<2010x300xf32, #tpu.memory_space<hbm>> -> memref<1x300xf32, #tpu.memory_space<hbm>>
    %dma_start3A_104 = arith.constant 3 : i32
    %dma_start3A_105 = arith.constant 0 : i32
    %dma_start3A_106 = tpu.memref_slice %arg6[%dma_start3A_104, %dma_start3A_105] : memref<32x300xf32, #tpu.memory_space<vmem>> -> memref<1x300xf32, #tpu.memory_space<vmem>>
    %dma_start3A_107 = arith.constant 0 : i32
    %dma_start3A_108 = tpu.memref_slice %arg3[%squeeze3A_10, %dma_start3A_107] : memref<2010x300xf32, #tpu.memory_space<hbm>> -> memref<1x300xf32, #tpu.memory_space<hbm>>
    tpu.enqueue_dma source(%dma_start3A_108 : memref<1x300xf32, #tpu.memory_space<hbm>>) target(%dma_start3A_106 : memref<1x300xf32, #tpu.memory_space<vmem>>) target_semaphore(%arg7 : memref<!tpu.dma_semaphore, #tpu.memory_space<semaphore_mem>>)
    %dma_start3A_109 = arith.constant 4 : i32
    %dma_start3A_110 = arith.constant 0 : i32
    %dma_start3A_111 = tpu.memref_slice %arg6[%dma_start3A_109, %dma_start3A_110] : memref<32x300xf32, #tpu.memory_space<vmem>> -> memref<1x300xf32, #tpu.memory_space<vmem>>
    %dma_start3A_112 = arith.constant 0 : i32
    %dma_start3A_113 = tpu.memref_slice %arg3[%squeeze3A_12, %dma_start3A_112] : memref<2010x300xf32, #tpu.memory_space<hbm>> -> memref<1x300xf32, #tpu.memory_space<hbm>>
    %dma_start3A_114 = arith.constant 4 : i32
    %dma_start3A_115 = arith.constant 0 : i32
    %dma_start3A_116 = tpu.memref_slice %arg6[%dma_start3A_114, %dma_start3A_115] : memref<32x300xf32, #tpu.memory_space<vmem>> -> memref<1x300xf32, #tpu.memory_space<vmem>>
    %dma_start3A_117 = arith.constant 0 : i32
    %dma_start3A_118 = tpu.memref_slice %arg3[%squeeze3A_12, %dma_start3A_117] : memref<2010x300xf32, #tpu.memory_space<hbm>> -> memref<1x300xf32, #tpu.memory_space<hbm>>
    tpu.enqueue_dma source(%dma_start3A_118 : memref<1x300xf32, #tpu.memory_space<hbm>>) target(%dma_start3A_116 : memref<1x300xf32, #tpu.memory_space<vmem>>) target_semaphore(%arg7 : memref<!tpu.dma_semaphore, #tpu.memory_space<semaphore_mem>>)
    %dma_start3A_119 = arith.constant 5 : i32
    %dma_start3A_120 = arith.constant 0 : i32
    %dma_start3A_121 = tpu.memref_slice %arg6[%dma_start3A_119, %dma_start3A_120] : memref<32x300xf32, #tpu.memory_space<vmem>> -> memref<1x300xf32, #tpu.memory_space<vmem>>
    %dma_start3A_122 = arith.constant 0 : i32
    %dma_start3A_123 = tpu.memref_slice %arg3[%squeeze3A_14, %dma_start3A_122] : memref<2010x300xf32, #tpu.memory_space<hbm>> -> memref<1x300xf32, #tpu.memory_space<hbm>>
    %dma_start3A_124 = arith.constant 5 : i32
    %dma_start3A_125 = arith.constant 0 : i32
    %dma_start3A_126 = tpu.memref_slice %arg6[%dma_start3A_124, %dma_start3A_125] : memref<32x300xf32, #tpu.memory_space<vmem>> -> memref<1x300xf32, #tpu.memory_space<vmem>>
    %dma_start3A_127 = arith.constant 0 : i32
    %dma_start3A_128 = tpu.memref_slice %arg3[%squeeze3A_14, %dma_start3A_127] : memref<2010x300xf32, #tpu.memory_space<hbm>> -> memref<1x300xf32, #tpu.memory_space<hbm>>
    tpu.enqueue_dma source(%dma_start3A_128 : memref<1x300xf32, #tpu.memory_space<hbm>>) target(%dma_start3A_126 : memref<1x300xf32, #tpu.memory_space<vmem>>) target_semaphore(%arg7 : memref<!tpu.dma_semaphore, #tpu.memory_space<semaphore_mem>>)
    %dma_start3A_129 = arith.constant 6 : i32
    %dma_start3A_130 = arith.constant 0 : i32
    %dma_start3A_131 = tpu.memref_slice %arg6[%dma_start3A_129, %dma_start3A_130] : memref<32x300xf32, #tpu.memory_space<vmem>> -> memref<1x300xf32, #tpu.memory_space<vmem>>
    %dma_start3A_132 = arith.constant 0 : i32
    %dma_start3A_133 = tpu.memref_slice %arg3[%squeeze3A_16, %dma_start3A_132] : memref<2010x300xf32, #tpu.memory_space<hbm>> -> memref<1x300xf32, #tpu.memory_space<hbm>>
    %dma_start3A_134 = arith.constant 6 : i32
    %dma_start3A_135 = arith.constant 0 : i32
    %dma_start3A_136 = tpu.memref_slice %arg6[%dma_start3A_134, %dma_start3A_135] : memref<32x300xf32, #tpu.memory_space<vmem>> -> memref<1x300xf32, #tpu.memory_space<vmem>>
    %dma_start3A_137 = arith.constant 0 : i32
    %dma_start3A_138 = tpu.memref_slice %arg3[%squeeze3A_16, %dma_start3A_137] : memref<2010x300xf32, #tpu.memory_space<hbm>> -> memref<1x300xf32, #tpu.memory_space<hbm>>
    tpu.enqueue_dma source(%dma_start3A_138 : memref<1x300xf32, #tpu.memory_space<hbm>>) target(%dma_start3A_136 : memref<1x300xf32, #tpu.memory_space<vmem>>) target_semaphore(%arg7 : memref<!tpu.dma_semaphore, #tpu.memory_space<semaphore_mem>>)
    %dma_start3A_139 = arith.constant 7 : i32
    %dma_start3A_140 = arith.constant 0 : i32
    %dma_start3A_141 = tpu.memref_slice %arg6[%dma_start3A_139, %dma_start3A_140] : memref<32x300xf32, #tpu.memory_space<vmem>> -> memref<1x300xf32, #tpu.memory_space<vmem>>
    %dma_start3A_142 = arith.constant 0 : i32
    %dma_start3A_143 = tpu.memref_slice %arg3[%squeeze3A_18, %dma_start3A_142] : memref<2010x300xf32, #tpu.memory_space<hbm>> -> memref<1x300xf32, #tpu.memory_space<hbm>>
    %dma_start3A_144 = arith.constant 7 : i32
    %dma_start3A_145 = arith.constant 0 : i32
    %dma_start3A_146 = tpu.memref_slice %arg6[%dma_start3A_144, %dma_start3A_145] : memref<32x300xf32, #tpu.memory_space<vmem>> -> memref<1x300xf32, #tpu.memory_space<vmem>>
    %dma_start3A_147 = arith.constant 0 : i32
    %dma_start3A_148 = tpu.memref_slice %arg3[%squeeze3A_18, %dma_start3A_147] : memref<2010x300xf32, #tpu.memory_space<hbm>> -> memref<1x300xf32, #tpu.memory_space<hbm>>
    tpu.enqueue_dma source(%dma_start3A_148 : memref<1x300xf32, #tpu.memory_space<hbm>>) target(%dma_start3A_146 : memref<1x300xf32, #tpu.memory_space<vmem>>) target_semaphore(%arg7 : memref<!tpu.dma_semaphore, #tpu.memory_space<semaphore_mem>>)
    %dma_start3A_149 = arith.constant 8 : i32
    %dma_start3A_150 = arith.constant 0 : i32
    %dma_start3A_151 = tpu.memref_slice %arg6[%dma_start3A_149, %dma_start3A_150] : memref<32x300xf32, #tpu.memory_space<vmem>> -> memref<1x300xf32, #tpu.memory_space<vmem>>
    %dma_start3A_152 = arith.constant 0 : i32
    %dma_start3A_153 = tpu.memref_slice %arg3[%squeeze3A_20, %dma_start3A_152] : memref<2010x300xf32, #tpu.memory_space<hbm>> -> memref<1x300xf32, #tpu.memory_space<hbm>>
    %dma_start3A_154 = arith.constant 8 : i32
    %dma_start3A_155 = arith.constant 0 : i32
    %dma_start3A_156 = tpu.memref_slice %arg6[%dma_start3A_154, %dma_start3A_155] : memref<32x300xf32, #tpu.memory_space<vmem>> -> memref<1x300xf32, #tpu.memory_space<vmem>>
    %dma_start3A_157 = arith.constant 0 : i32
    %dma_start3A_158 = tpu.memref_slice %arg3[%squeeze3A_20, %dma_start3A_157] : memref<2010x300xf32, #tpu.memory_space<hbm>> -> memref<1x300xf32, #tpu.memory_space<hbm>>
    tpu.enqueue_dma source(%dma_start3A_158 : memref<1x300xf32, #tpu.memory_space<hbm>>) target(%dma_start3A_156 : memref<1x300xf32, #tpu.memory_space<vmem>>) target_semaphore(%arg7 : memref<!tpu.dma_semaphore, #tpu.memory_space<semaphore_mem>>)
    %dma_start3A_159 = arith.constant 9 : i32
    %dma_start3A_160 = arith.constant 0 : i32
    %dma_start3A_161 = tpu.memref_slice %arg6[%dma_start3A_159, %dma_start3A_160] : memref<32x300xf32, #tpu.memory_space<vmem>> -> memref<1x300xf32, #tpu.memory_space<vmem>>
    %dma_start3A_162 = arith.constant 0 : i32
    %dma_start3A_163 = tpu.memref_slice %arg3[%squeeze3A_22, %dma_start3A_162] : memref<2010x300xf32, #tpu.memory_space<hbm>> -> memref<1x300xf32, #tpu.memory_space<hbm>>
    %dma_start3A_164 = arith.constant 9 : i32
    %dma_start3A_165 = arith.constant 0 : i32
    %dma_start3A_166 = tpu.memref_slice %arg6[%dma_start3A_164, %dma_start3A_165] : memref<32x300xf32, #tpu.memory_space<vmem>> -> memref<1x300xf32, #tpu.memory_space<vmem>>
    %dma_start3A_167 = arith.constant 0 : i32
    %dma_start3A_168 = tpu.memref_slice %arg3[%squeeze3A_22, %dma_start3A_167] : memref<2010x300xf32, #tpu.memory_space<hbm>> -> memref<1x300xf32, #tpu.memory_space<hbm>>
    tpu.enqueue_dma source(%dma_start3A_168 : memref<1x300xf32, #tpu.memory_space<hbm>>) target(%dma_start3A_166 : memref<1x300xf32, #tpu.memory_space<vmem>>) target_semaphore(%arg7 : memref<!tpu.dma_semaphore, #tpu.memory_space<semaphore_mem>>)
    %dma_start3A_169 = arith.constant 10 : i32
    %dma_start3A_170 = arith.constant 0 : i32
    %dma_start3A_171 = tpu.memref_slice %arg6[%dma_start3A_169, %dma_start3A_170] : memref<32x300xf32, #tpu.memory_space<vmem>> -> memref<1x300xf32, #tpu.memory_space<vmem>>
    %dma_start3A_172 = arith.constant 0 : i32
    %dma_start3A_173 = tpu.memref_slice %arg3[%squeeze3A_24, %dma_start3A_172] : memref<2010x300xf32, #tpu.memory_space<hbm>> -> memref<1x300xf32, #tpu.memory_space<hbm>>
    %dma_start3A_174 = arith.constant 10 : i32
    %dma_start3A_175 = arith.constant 0 : i32
    %dma_start3A_176 = tpu.memref_slice %arg6[%dma_start3A_174, %dma_start3A_175] : memref<32x300xf32, #tpu.memory_space<vmem>> -> memref<1x300xf32, #tpu.memory_space<vmem>>
    %dma_start3A_177 = arith.constant 0 : i32
    %dma_start3A_178 = tpu.memref_slice %arg3[%squeeze3A_24, %dma_start3A_177] : memref<2010x300xf32, #tpu.memory_space<hbm>> -> memref<1x300xf32, #tpu.memory_space<hbm>>
    tpu.enqueue_dma source(%dma_start3A_178 : memref<1x300xf32, #tpu.memory_space<hbm>>) target(%dma_start3A_176 : memref<1x300xf32, #tpu.memory_space<vmem>>) target_semaphore(%arg7 : memref<!tpu.dma_semaphore, #tpu.memory_space<semaphore_mem>>)
    %dma_start3A_179 = arith.constant 11 : i32
    %dma_start3A_180 = arith.constant 0 : i32
    %dma_start3A_181 = tpu.memref_slice %arg6[%dma_start3A_179, %dma_start3A_180] : memref<32x300xf32, #tpu.memory_space<vmem>> -> memref<1x300xf32, #tpu.memory_space<vmem>>
    %dma_start3A_182 = arith.constant 0 : i32
    %dma_start3A_183 = tpu.memref_slice %arg3[%squeeze3A_26, %dma_start3A_182] : memref<2010x300xf32, #tpu.memory_space<hbm>> -> memref<1x300xf32, #tpu.memory_space<hbm>>
    %dma_start3A_184 = arith.constant 11 : i32
    %dma_start3A_185 = arith.constant 0 : i32
    %dma_start3A_186 = tpu.memref_slice %arg6[%dma_start3A_184, %dma_start3A_185] : memref<32x300xf32, #tpu.memory_space<vmem>> -> memref<1x300xf32, #tpu.memory_space<vmem>>
    %dma_start3A_187 = arith.constant 0 : i32
    %dma_start3A_188 = tpu.memref_slice %arg3[%squeeze3A_26, %dma_start3A_187] : memref<2010x300xf32, #tpu.memory_space<hbm>> -> memref<1x300xf32, #tpu.memory_space<hbm>>
    tpu.enqueue_dma source(%dma_start3A_188 : memref<1x300xf32, #tpu.memory_space<hbm>>) target(%dma_start3A_186 : memref<1x300xf32, #tpu.memory_space<vmem>>) target_semaphore(%arg7 : memref<!tpu.dma_semaphore, #tpu.memory_space<semaphore_mem>>)
    %dma_start3A_189 = arith.constant 12 : i32
    %dma_start3A_190 = arith.constant 0 : i32
    %dma_start3A_191 = tpu.memref_slice %arg6[%dma_start3A_189, %dma_start3A_190] : memref<32x300xf32, #tpu.memory_space<vmem>> -> memref<1x300xf32, #tpu.memory_space<vmem>>
    %dma_start3A_192 = arith.constant 0 : i32
    %dma_start3A_193 = tpu.memref_slice %arg3[%squeeze3A_28, %dma_start3A_192] : memref<2010x300xf32, #tpu.memory_space<hbm>> -> memref<1x300xf32, #tpu.memory_space<hbm>>
    %dma_start3A_194 = arith.constant 12 : i32
    %dma_start3A_195 = arith.constant 0 : i32
    %dma_start3A_196 = tpu.memref_slice %arg6[%dma_start3A_194, %dma_start3A_195] : memref<32x300xf32, #tpu.memory_space<vmem>> -> memref<1x300xf32, #tpu.memory_space<vmem>>
    %dma_start3A_197 = arith.constant 0 : i32
    %dma_start3A_198 = tpu.memref_slice %arg3[%squeeze3A_28, %dma_start3A_197] : memref<2010x300xf32, #tpu.memory_space<hbm>> -> memref<1x300xf32, #tpu.memory_space<hbm>>
    tpu.enqueue_dma source(%dma_start3A_198 : memref<1x300xf32, #tpu.memory_space<hbm>>) target(%dma_start3A_196 : memref<1x300xf32, #tpu.memory_space<vmem>>) target_semaphore(%arg7 : memref<!tpu.dma_semaphore, #tpu.memory_space<semaphore_mem>>)
    %dma_start3A_199 = arith.constant 13 : i32
    %dma_start3A_200 = arith.constant 0 : i32
    %dma_start3A_201 = tpu.memref_slice %arg6[%dma_start3A_199, %dma_start3A_200] : memref<32x300xf32, #tpu.memory_space<vmem>> -> memref<1x300xf32, #tpu.memory_space<vmem>>
    %dma_start3A_202 = arith.constant 0 : i32
    %dma_start3A_203 = tpu.memref_slice %arg3[%squeeze3A_30, %dma_start3A_202] : memref<2010x300xf32, #tpu.memory_space<hbm>> -> memref<1x300xf32, #tpu.memory_space<hbm>>
    %dma_start3A_204 = arith.constant 13 : i32
    %dma_start3A_205 = arith.constant 0 : i32
    %dma_start3A_206 = tpu.memref_slice %arg6[%dma_start3A_204, %dma_start3A_205] : memref<32x300xf32, #tpu.memory_space<vmem>> -> memref<1x300xf32, #tpu.memory_space<vmem>>
    %dma_start3A_207 = arith.constant 0 : i32
    %dma_start3A_208 = tpu.memref_slice %arg3[%squeeze3A_30, %dma_start3A_207] : memref<2010x300xf32, #tpu.memory_space<hbm>> -> memref<1x300xf32, #tpu.memory_space<hbm>>
    tpu.enqueue_dma source(%dma_start3A_208 : memref<1x300xf32, #tpu.memory_space<hbm>>) target(%dma_start3A_206 : memref<1x300xf32, #tpu.memory_space<vmem>>) target_semaphore(%arg7 : memref<!tpu.dma_semaphore, #tpu.memory_space<semaphore_mem>>)
    %dma_start3A_209 = arith.constant 14 : i32
    %dma_start3A_210 = arith.constant 0 : i32
    %dma_start3A_211 = tpu.memref_slice %arg6[%dma_start3A_209, %dma_start3A_210] : memref<32x300xf32, #tpu.memory_space<vmem>> -> memref<1x300xf32, #tpu.memory_space<vmem>>
    %dma_start3A_212 = arith.constant 0 : i32
    %dma_start3A_213 = tpu.memref_slice %arg3[%squeeze3A_32, %dma_start3A_212] : memref<2010x300xf32, #tpu.memory_space<hbm>> -> memref<1x300xf32, #tpu.memory_space<hbm>>
    %dma_start3A_214 = arith.constant 14 : i32
    %dma_start3A_215 = arith.constant 0 : i32
    %dma_start3A_216 = tpu.memref_slice %arg6[%dma_start3A_214, %dma_start3A_215] : memref<32x300xf32, #tpu.memory_space<vmem>> -> memref<1x300xf32, #tpu.memory_space<vmem>>
    %dma_start3A_217 = arith.constant 0 : i32
    %dma_start3A_218 = tpu.memref_slice %arg3[%squeeze3A_32, %dma_start3A_217] : memref<2010x300xf32, #tpu.memory_space<hbm>> -> memref<1x300xf32, #tpu.memory_space<hbm>>
    tpu.enqueue_dma source(%dma_start3A_218 : memref<1x300xf32, #tpu.memory_space<hbm>>) target(%dma_start3A_216 : memref<1x300xf32, #tpu.memory_space<vmem>>) target_semaphore(%arg7 : memref<!tpu.dma_semaphore, #tpu.memory_space<semaphore_mem>>)
    %dma_start3A_219 = arith.constant 15 : i32
    %dma_start3A_220 = arith.constant 0 : i32
    %dma_start3A_221 = tpu.memref_slice %arg6[%dma_start3A_219, %dma_start3A_220] : memref<32x300xf32, #tpu.memory_space<vmem>> -> memref<1x300xf32, #tpu.memory_space<vmem>>
    %dma_start3A_222 = arith.constant 0 : i32
    %dma_start3A_223 = tpu.memref_slice %arg3[%squeeze3A_34, %dma_start3A_222] : memref<2010x300xf32, #tpu.memory_space<hbm>> -> memref<1x300xf32, #tpu.memory_space<hbm>>
    %dma_start3A_224 = arith.constant 15 : i32
    %dma_start3A_225 = arith.constant 0 : i32
    %dma_start3A_226 = tpu.memref_slice %arg6[%dma_start3A_224, %dma_start3A_225] : memref<32x300xf32, #tpu.memory_space<vmem>> -> memref<1x300xf32, #tpu.memory_space<vmem>>
    %dma_start3A_227 = arith.constant 0 : i32
    %dma_start3A_228 = tpu.memref_slice %arg3[%squeeze3A_34, %dma_start3A_227] : memref<2010x300xf32, #tpu.memory_space<hbm>> -> memref<1x300xf32, #tpu.memory_space<hbm>>
    tpu.enqueue_dma source(%dma_start3A_228 : memref<1x300xf32, #tpu.memory_space<hbm>>) target(%dma_start3A_226 : memref<1x300xf32, #tpu.memory_space<vmem>>) target_semaphore(%arg7 : memref<!tpu.dma_semaphore, #tpu.memory_space<semaphore_mem>>)
    %dma_start3A_229 = arith.constant 16 : i32
    %dma_start3A_230 = arith.constant 0 : i32
    %dma_start3A_231 = tpu.memref_slice %arg6[%dma_start3A_229, %dma_start3A_230] : memref<32x300xf32, #tpu.memory_space<vmem>> -> memref<1x300xf32, #tpu.memory_space<vmem>>
    %dma_start3A_232 = arith.constant 0 : i32
    %dma_start3A_233 = tpu.memref_slice %arg3[%squeeze3A_39, %dma_start3A_232] : memref<2010x300xf32, #tpu.memory_space<hbm>> -> memref<1x300xf32, #tpu.memory_space<hbm>>
    %dma_start3A_234 = arith.constant 16 : i32
    %dma_start3A_235 = arith.constant 0 : i32
    %dma_start3A_236 = tpu.memref_slice %arg6[%dma_start3A_234, %dma_start3A_235] : memref<32x300xf32, #tpu.memory_space<vmem>> -> memref<1x300xf32, #tpu.memory_space<vmem>>
    %dma_start3A_237 = arith.constant 0 : i32
    %dma_start3A_238 = tpu.memref_slice %arg3[%squeeze3A_39, %dma_start3A_237] : memref<2010x300xf32, #tpu.memory_space<hbm>> -> memref<1x300xf32, #tpu.memory_space<hbm>>
    tpu.enqueue_dma source(%dma_start3A_238 : memref<1x300xf32, #tpu.memory_space<hbm>>) target(%dma_start3A_236 : memref<1x300xf32, #tpu.memory_space<vmem>>) target_semaphore(%arg7 : memref<!tpu.dma_semaphore, #tpu.memory_space<semaphore_mem>>)
    %dma_start3A_239 = arith.constant 17 : i32
    %dma_start3A_240 = arith.constant 0 : i32
    %dma_start3A_241 = tpu.memref_slice %arg6[%dma_start3A_239, %dma_start3A_240] : memref<32x300xf32, #tpu.memory_space<vmem>> -> memref<1x300xf32, #tpu.memory_space<vmem>>
    %dma_start3A_242 = arith.constant 0 : i32
    %dma_start3A_243 = tpu.memref_slice %arg3[%squeeze3A_41, %dma_start3A_242] : memref<2010x300xf32, #tpu.memory_space<hbm>> -> memref<1x300xf32, #tpu.memory_space<hbm>>
    %dma_start3A_244 = arith.constant 17 : i32
    %dma_start3A_245 = arith.constant 0 : i32
    %dma_start3A_246 = tpu.memref_slice %arg6[%dma_start3A_244, %dma_start3A_245] : memref<32x300xf32, #tpu.memory_space<vmem>> -> memref<1x300xf32, #tpu.memory_space<vmem>>
    %dma_start3A_247 = arith.constant 0 : i32
    %dma_start3A_248 = tpu.memref_slice %arg3[%squeeze3A_41, %dma_start3A_247] : memref<2010x300xf32, #tpu.memory_space<hbm>> -> memref<1x300xf32, #tpu.memory_space<hbm>>
    tpu.enqueue_dma source(%dma_start3A_248 : memref<1x300xf32, #tpu.memory_space<hbm>>) target(%dma_start3A_246 : memref<1x300xf32, #tpu.memory_space<vmem>>) target_semaphore(%arg7 : memref<!tpu.dma_semaphore, #tpu.memory_space<semaphore_mem>>)
    %dma_start3A_249 = arith.constant 18 : i32
    %dma_start3A_250 = arith.constant 0 : i32
    %dma_start3A_251 = tpu.memref_slice %arg6[%dma_start3A_249, %dma_start3A_250] : memref<32x300xf32, #tpu.memory_space<vmem>> -> memref<1x300xf32, #tpu.memory_space<vmem>>
    %dma_start3A_252 = arith.constant 0 : i32
    %dma_start3A_253 = tpu.memref_slice %arg3[%squeeze3A_43, %dma_start3A_252] : memref<2010x300xf32, #tpu.memory_space<hbm>> -> memref<1x300xf32, #tpu.memory_space<hbm>>
    %dma_start3A_254 = arith.constant 18 : i32
    %dma_start3A_255 = arith.constant 0 : i32
    %dma_start3A_256 = tpu.memref_slice %arg6[%dma_start3A_254, %dma_start3A_255] : memref<32x300xf32, #tpu.memory_space<vmem>> -> memref<1x300xf32, #tpu.memory_space<vmem>>
    %dma_start3A_257 = arith.constant 0 : i32
    %dma_start3A_258 = tpu.memref_slice %arg3[%squeeze3A_43, %dma_start3A_257] : memref<2010x300xf32, #tpu.memory_space<hbm>> -> memref<1x300xf32, #tpu.memory_space<hbm>>
    tpu.enqueue_dma source(%dma_start3A_258 : memref<1x300xf32, #tpu.memory_space<hbm>>) target(%dma_start3A_256 : memref<1x300xf32, #tpu.memory_space<vmem>>) target_semaphore(%arg7 : memref<!tpu.dma_semaphore, #tpu.memory_space<semaphore_mem>>)
    %dma_start3A_259 = arith.constant 19 : i32
    %dma_start3A_260 = arith.constant 0 : i32
    %dma_start3A_261 = tpu.memref_slice %arg6[%dma_start3A_259, %dma_start3A_260] : memref<32x300xf32, #tpu.memory_space<vmem>> -> memref<1x300xf32, #tpu.memory_space<vmem>>
    %dma_start3A_262 = arith.constant 0 : i32
    %dma_start3A_263 = tpu.memref_slice %arg3[%squeeze3A_45, %dma_start3A_262] : memref<2010x300xf32, #tpu.memory_space<hbm>> -> memref<1x300xf32, #tpu.memory_space<hbm>>
    %dma_start3A_264 = arith.constant 19 : i32
    %dma_start3A_265 = arith.constant 0 : i32
    %dma_start3A_266 = tpu.memref_slice %arg6[%dma_start3A_264, %dma_start3A_265] : memref<32x300xf32, #tpu.memory_space<vmem>> -> memref<1x300xf32, #tpu.memory_space<vmem>>
    %dma_start3A_267 = arith.constant 0 : i32
    %dma_start3A_268 = tpu.memref_slice %arg3[%squeeze3A_45, %dma_start3A_267] : memref<2010x300xf32, #tpu.memory_space<hbm>> -> memref<1x300xf32, #tpu.memory_space<hbm>>
    tpu.enqueue_dma source(%dma_start3A_268 : memref<1x300xf32, #tpu.memory_space<hbm>>) target(%dma_start3A_266 : memref<1x300xf32, #tpu.memory_space<vmem>>) target_semaphore(%arg7 : memref<!tpu.dma_semaphore, #tpu.memory_space<semaphore_mem>>)
    %dma_start3A_269 = arith.constant 20 : i32
    %dma_start3A_270 = arith.constant 0 : i32
    %dma_start3A_271 = tpu.memref_slice %arg6[%dma_start3A_269, %dma_start3A_270] : memref<32x300xf32, #tpu.memory_space<vmem>> -> memref<1x300xf32, #tpu.memory_space<vmem>>
    %dma_start3A_272 = arith.constant 0 : i32
    %dma_start3A_273 = tpu.memref_slice %arg3[%squeeze3A_47, %dma_start3A_272] : memref<2010x300xf32, #tpu.memory_space<hbm>> -> memref<1x300xf32, #tpu.memory_space<hbm>>
    %dma_start3A_274 = arith.constant 20 : i32
    %dma_start3A_275 = arith.constant 0 : i32
    %dma_start3A_276 = tpu.memref_slice %arg6[%dma_start3A_274, %dma_start3A_275] : memref<32x300xf32, #tpu.memory_space<vmem>> -> memref<1x300xf32, #tpu.memory_space<vmem>>
    %dma_start3A_277 = arith.constant 0 : i32
    %dma_start3A_278 = tpu.memref_slice %arg3[%squeeze3A_47, %dma_start3A_277] : memref<2010x300xf32, #tpu.memory_space<hbm>> -> memref<1x300xf32, #tpu.memory_space<hbm>>
    tpu.enqueue_dma source(%dma_start3A_278 : memref<1x300xf32, #tpu.memory_space<hbm>>) target(%dma_start3A_276 : memref<1x300xf32, #tpu.memory_space<vmem>>) target_semaphore(%arg7 : memref<!tpu.dma_semaphore, #tpu.memory_space<semaphore_mem>>)
    %dma_start3A_279 = arith.constant 21 : i32
    %dma_start3A_280 = arith.constant 0 : i32
    %dma_start3A_281 = tpu.memref_slice %arg6[%dma_start3A_279, %dma_start3A_280] : memref<32x300xf32, #tpu.memory_space<vmem>> -> memref<1x300xf32, #tpu.memory_space<vmem>>
    %dma_start3A_282 = arith.constant 0 : i32
    %dma_start3A_283 = tpu.memref_slice %arg3[%squeeze3A_49, %dma_start3A_282] : memref<2010x300xf32, #tpu.memory_space<hbm>> -> memref<1x300xf32, #tpu.memory_space<hbm>>
    %dma_start3A_284 = arith.constant 21 : i32
    %dma_start3A_285 = arith.constant 0 : i32
    %dma_start3A_286 = tpu.memref_slice %arg6[%dma_start3A_284, %dma_start3A_285] : memref<32x300xf32, #tpu.memory_space<vmem>> -> memref<1x300xf32, #tpu.memory_space<vmem>>
    %dma_start3A_287 = arith.constant 0 : i32
    %dma_start3A_288 = tpu.memref_slice %arg3[%squeeze3A_49, %dma_start3A_287] : memref<2010x300xf32, #tpu.memory_space<hbm>> -> memref<1x300xf32, #tpu.memory_space<hbm>>
    tpu.enqueue_dma source(%dma_start3A_288 : memref<1x300xf32, #tpu.memory_space<hbm>>) target(%dma_start3A_286 : memref<1x300xf32, #tpu.memory_space<vmem>>) target_semaphore(%arg7 : memref<!tpu.dma_semaphore, #tpu.memory_space<semaphore_mem>>)
    %dma_start3A_289 = arith.constant 22 : i32
    %dma_start3A_290 = arith.constant 0 : i32
    %dma_start3A_291 = tpu.memref_slice %arg6[%dma_start3A_289, %dma_start3A_290] : memref<32x300xf32, #tpu.memory_space<vmem>> -> memref<1x300xf32, #tpu.memory_space<vmem>>
    %dma_start3A_292 = arith.constant 0 : i32
    %dma_start3A_293 = tpu.memref_slice %arg3[%squeeze3A_51, %dma_start3A_292] : memref<2010x300xf32, #tpu.memory_space<hbm>> -> memref<1x300xf32, #tpu.memory_space<hbm>>
    %dma_start3A_294 = arith.constant 22 : i32
    %dma_start3A_295 = arith.constant 0 : i32
    %dma_start3A_296 = tpu.memref_slice %arg6[%dma_start3A_294, %dma_start3A_295] : memref<32x300xf32, #tpu.memory_space<vmem>> -> memref<1x300xf32, #tpu.memory_space<vmem>>
    %dma_start3A_297 = arith.constant 0 : i32
    %dma_start3A_298 = tpu.memref_slice %arg3[%squeeze3A_51, %dma_start3A_297] : memref<2010x300xf32, #tpu.memory_space<hbm>> -> memref<1x300xf32, #tpu.memory_space<hbm>>
    tpu.enqueue_dma source(%dma_start3A_298 : memref<1x300xf32, #tpu.memory_space<hbm>>) target(%dma_start3A_296 : memref<1x300xf32, #tpu.memory_space<vmem>>) target_semaphore(%arg7 : memref<!tpu.dma_semaphore, #tpu.memory_space<semaphore_mem>>)
    %dma_start3A_299 = arith.constant 23 : i32
    %dma_start3A_300 = arith.constant 0 : i32
    %dma_start3A_301 = tpu.memref_slice %arg6[%dma_start3A_299, %dma_start3A_300] : memref<32x300xf32, #tpu.memory_space<vmem>> -> memref<1x300xf32, #tpu.memory_space<vmem>>
    %dma_start3A_302 = arith.constant 0 : i32
    %dma_start3A_303 = tpu.memref_slice %arg3[%squeeze3A_53, %dma_start3A_302] : memref<2010x300xf32, #tpu.memory_space<hbm>> -> memref<1x300xf32, #tpu.memory_space<hbm>>
    %dma_start3A_304 = arith.constant 23 : i32
    %dma_start3A_305 = arith.constant 0 : i32
    %dma_start3A_306 = tpu.memref_slice %arg6[%dma_start3A_304, %dma_start3A_305] : memref<32x300xf32, #tpu.memory_space<vmem>> -> memref<1x300xf32, #tpu.memory_space<vmem>>
    %dma_start3A_307 = arith.constant 0 : i32
    %dma_start3A_308 = tpu.memref_slice %arg3[%squeeze3A_53, %dma_start3A_307] : memref<2010x300xf32, #tpu.memory_space<hbm>> -> memref<1x300xf32, #tpu.memory_space<hbm>>
    tpu.enqueue_dma source(%dma_start3A_308 : memref<1x300xf32, #tpu.memory_space<hbm>>) target(%dma_start3A_306 : memref<1x300xf32, #tpu.memory_space<vmem>>) target_semaphore(%arg7 : memref<!tpu.dma_semaphore, #tpu.memory_space<semaphore_mem>>)
    %dma_start3A_309 = arith.constant 24 : i32
    %dma_start3A_310 = arith.constant 0 : i32
    %dma_start3A_311 = tpu.memref_slice %arg6[%dma_start3A_309, %dma_start3A_310] : memref<32x300xf32, #tpu.memory_space<vmem>> -> memref<1x300xf32, #tpu.memory_space<vmem>>
    %dma_start3A_312 = arith.constant 0 : i32
    %dma_start3A_313 = tpu.memref_slice %arg3[%squeeze3A_55, %dma_start3A_312] : memref<2010x300xf32, #tpu.memory_space<hbm>> -> memref<1x300xf32, #tpu.memory_space<hbm>>
    %dma_start3A_314 = arith.constant 24 : i32
    %dma_start3A_315 = arith.constant 0 : i32
    %dma_start3A_316 = tpu.memref_slice %arg6[%dma_start3A_314, %dma_start3A_315] : memref<32x300xf32, #tpu.memory_space<vmem>> -> memref<1x300xf32, #tpu.memory_space<vmem>>
    %dma_start3A_317 = arith.constant 0 : i32
    %dma_start3A_318 = tpu.memref_slice %arg3[%squeeze3A_55, %dma_start3A_317] : memref<2010x300xf32, #tpu.memory_space<hbm>> -> memref<1x300xf32, #tpu.memory_space<hbm>>
    tpu.enqueue_dma source(%dma_start3A_318 : memref<1x300xf32, #tpu.memory_space<hbm>>) target(%dma_start3A_316 : memref<1x300xf32, #tpu.memory_space<vmem>>) target_semaphore(%arg7 : memref<!tpu.dma_semaphore, #tpu.memory_space<semaphore_mem>>)
    %dma_start3A_319 = arith.constant 25 : i32
    %dma_start3A_320 = arith.constant 0 : i32
    %dma_start3A_321 = tpu.memref_slice %arg6[%dma_start3A_319, %dma_start3A_320] : memref<32x300xf32, #tpu.memory_space<vmem>> -> memref<1x300xf32, #tpu.memory_space<vmem>>
    %dma_start3A_322 = arith.constant 0 : i32
    %dma_start3A_323 = tpu.memref_slice %arg3[%squeeze3A_57, %dma_start3A_322] : memref<2010x300xf32, #tpu.memory_space<hbm>> -> memref<1x300xf32, #tpu.memory_space<hbm>>
    %dma_start3A_324 = arith.constant 25 : i32
    %dma_start3A_325 = arith.constant 0 : i32
    %dma_start3A_326 = tpu.memref_slice %arg6[%dma_start3A_324, %dma_start3A_325] : memref<32x300xf32, #tpu.memory_space<vmem>> -> memref<1x300xf32, #tpu.memory_space<vmem>>
    %dma_start3A_327 = arith.constant 0 : i32
    %dma_start3A_328 = tpu.memref_slice %arg3[%squeeze3A_57, %dma_start3A_327] : memref<2010x300xf32, #tpu.memory_space<hbm>> -> memref<1x300xf32, #tpu.memory_space<hbm>>
    tpu.enqueue_dma source(%dma_start3A_328 : memref<1x300xf32, #tpu.memory_space<hbm>>) target(%dma_start3A_326 : memref<1x300xf32, #tpu.memory_space<vmem>>) target_semaphore(%arg7 : memref<!tpu.dma_semaphore, #tpu.memory_space<semaphore_mem>>)
    %dma_start3A_329 = arith.constant 26 : i32
    %dma_start3A_330 = arith.constant 0 : i32
    %dma_start3A_331 = tpu.memref_slice %arg6[%dma_start3A_329, %dma_start3A_330] : memref<32x300xf32, #tpu.memory_space<vmem>> -> memref<1x300xf32, #tpu.memory_space<vmem>>
    %dma_start3A_332 = arith.constant 0 : i32
    %dma_start3A_333 = tpu.memref_slice %arg3[%squeeze3A_59, %dma_start3A_332] : memref<2010x300xf32, #tpu.memory_space<hbm>> -> memref<1x300xf32, #tpu.memory_space<hbm>>
    %dma_start3A_334 = arith.constant 26 : i32
    %dma_start3A_335 = arith.constant 0 : i32
    %dma_start3A_336 = tpu.memref_slice %arg6[%dma_start3A_334, %dma_start3A_335] : memref<32x300xf32, #tpu.memory_space<vmem>> -> memref<1x300xf32, #tpu.memory_space<vmem>>
    %dma_start3A_337 = arith.constant 0 : i32
    %dma_start3A_338 = tpu.memref_slice %arg3[%squeeze3A_59, %dma_start3A_337] : memref<2010x300xf32, #tpu.memory_space<hbm>> -> memref<1x300xf32, #tpu.memory_space<hbm>>
    tpu.enqueue_dma source(%dma_start3A_338 : memref<1x300xf32, #tpu.memory_space<hbm>>) target(%dma_start3A_336 : memref<1x300xf32, #tpu.memory_space<vmem>>) target_semaphore(%arg7 : memref<!tpu.dma_semaphore, #tpu.memory_space<semaphore_mem>>)
    %dma_start3A_339 = arith.constant 27 : i32
    %dma_start3A_340 = arith.constant 0 : i32
    %dma_start3A_341 = tpu.memref_slice %arg6[%dma_start3A_339, %dma_start3A_340] : memref<32x300xf32, #tpu.memory_space<vmem>> -> memref<1x300xf32, #tpu.memory_space<vmem>>
    %dma_start3A_342 = arith.constant 0 : i32
    %dma_start3A_343 = tpu.memref_slice %arg3[%squeeze3A_61, %dma_start3A_342] : memref<2010x300xf32, #tpu.memory_space<hbm>> -> memref<1x300xf32, #tpu.memory_space<hbm>>
    %dma_start3A_344 = arith.constant 27 : i32
    %dma_start3A_345 = arith.constant 0 : i32
    %dma_start3A_346 = tpu.memref_slice %arg6[%dma_start3A_344, %dma_start3A_345] : memref<32x300xf32, #tpu.memory_space<vmem>> -> memref<1x300xf32, #tpu.memory_space<vmem>>
    %dma_start3A_347 = arith.constant 0 : i32
    %dma_start3A_348 = tpu.memref_slice %arg3[%squeeze3A_61, %dma_start3A_347] : memref<2010x300xf32, #tpu.memory_space<hbm>> -> memref<1x300xf32, #tpu.memory_space<hbm>>
    tpu.enqueue_dma source(%dma_start3A_348 : memref<1x300xf32, #tpu.memory_space<hbm>>) target(%dma_start3A_346 : memref<1x300xf32, #tpu.memory_space<vmem>>) target_semaphore(%arg7 : memref<!tpu.dma_semaphore, #tpu.memory_space<semaphore_mem>>)
    %dma_start3A_349 = arith.constant 28 : i32
    %dma_start3A_350 = arith.constant 0 : i32
    %dma_start3A_351 = tpu.memref_slice %arg6[%dma_start3A_349, %dma_start3A_350] : memref<32x300xf32, #tpu.memory_space<vmem>> -> memref<1x300xf32, #tpu.memory_space<vmem>>
    %dma_start3A_352 = arith.constant 0 : i32
    %dma_start3A_353 = tpu.memref_slice %arg3[%squeeze3A_63, %dma_start3A_352] : memref<2010x300xf32, #tpu.memory_space<hbm>> -> memref<1x300xf32, #tpu.memory_space<hbm>>
    %dma_start3A_354 = arith.constant 28 : i32
    %dma_start3A_355 = arith.constant 0 : i32
    %dma_start3A_356 = tpu.memref_slice %arg6[%dma_start3A_354, %dma_start3A_355] : memref<32x300xf32, #tpu.memory_space<vmem>> -> memref<1x300xf32, #tpu.memory_space<vmem>>
    %dma_start3A_357 = arith.constant 0 : i32
    %dma_start3A_358 = tpu.memref_slice %arg3[%squeeze3A_63, %dma_start3A_357] : memref<2010x300xf32, #tpu.memory_space<hbm>> -> memref<1x300xf32, #tpu.memory_space<hbm>>
    tpu.enqueue_dma source(%dma_start3A_358 : memref<1x300xf32, #tpu.memory_space<hbm>>) target(%dma_start3A_356 : memref<1x300xf32, #tpu.memory_space<vmem>>) target_semaphore(%arg7 : memref<!tpu.dma_semaphore, #tpu.memory_space<semaphore_mem>>)
    %dma_start3A_359 = arith.constant 29 : i32
    %dma_start3A_360 = arith.constant 0 : i32
    %dma_start3A_361 = tpu.memref_slice %arg6[%dma_start3A_359, %dma_start3A_360] : memref<32x300xf32, #tpu.memory_space<vmem>> -> memref<1x300xf32, #tpu.memory_space<vmem>>
    %dma_start3A_362 = arith.constant 0 : i32
    %dma_start3A_363 = tpu.memref_slice %arg3[%squeeze3A_65, %dma_start3A_362] : memref<2010x300xf32, #tpu.memory_space<hbm>> -> memref<1x300xf32, #tpu.memory_space<hbm>>
    %dma_start3A_364 = arith.constant 29 : i32
    %dma_start3A_365 = arith.constant 0 : i32
    %dma_start3A_366 = tpu.memref_slice %arg6[%dma_start3A_364, %dma_start3A_365] : memref<32x300xf32, #tpu.memory_space<vmem>> -> memref<1x300xf32, #tpu.memory_space<vmem>>
    %dma_start3A_367 = arith.constant 0 : i32
    %dma_start3A_368 = tpu.memref_slice %arg3[%squeeze3A_65, %dma_start3A_367] : memref<2010x300xf32, #tpu.memory_space<hbm>> -> memref<1x300xf32, #tpu.memory_space<hbm>>
    tpu.enqueue_dma source(%dma_start3A_368 : memref<1x300xf32, #tpu.memory_space<hbm>>) target(%dma_start3A_366 : memref<1x300xf32, #tpu.memory_space<vmem>>) target_semaphore(%arg7 : memref<!tpu.dma_semaphore, #tpu.memory_space<semaphore_mem>>)
    %dma_start3A_369 = arith.constant 30 : i32
    %dma_start3A_370 = arith.constant 0 : i32
    %dma_start3A_371 = tpu.memref_slice %arg6[%dma_start3A_369, %dma_start3A_370] : memref<32x300xf32, #tpu.memory_space<vmem>> -> memref<1x300xf32, #tpu.memory_space<vmem>>
    %dma_start3A_372 = arith.constant 0 : i32
    %dma_start3A_373 = tpu.memref_slice %arg3[%squeeze3A_67, %dma_start3A_372] : memref<2010x300xf32, #tpu.memory_space<hbm>> -> memref<1x300xf32, #tpu.memory_space<hbm>>
    %dma_start3A_374 = arith.constant 30 : i32
    %dma_start3A_375 = arith.constant 0 : i32
    %dma_start3A_376 = tpu.memref_slice %arg6[%dma_start3A_374, %dma_start3A_375] : memref<32x300xf32, #tpu.memory_space<vmem>> -> memref<1x300xf32, #tpu.memory_space<vmem>>
    %dma_start3A_377 = arith.constant 0 : i32
    %dma_start3A_378 = tpu.memref_slice %arg3[%squeeze3A_67, %dma_start3A_377] : memref<2010x300xf32, #tpu.memory_space<hbm>> -> memref<1x300xf32, #tpu.memory_space<hbm>>
    tpu.enqueue_dma source(%dma_start3A_378 : memref<1x300xf32, #tpu.memory_space<hbm>>) target(%dma_start3A_376 : memref<1x300xf32, #tpu.memory_space<vmem>>) target_semaphore(%arg7 : memref<!tpu.dma_semaphore, #tpu.memory_space<semaphore_mem>>)
    %dma_start3A_379 = arith.constant 31 : i32
    %dma_start3A_380 = arith.constant 0 : i32
    %dma_start3A_381 = tpu.memref_slice %arg6[%dma_start3A_379, %dma_start3A_380] : memref<32x300xf32, #tpu.memory_space<vmem>> -> memref<1x300xf32, #tpu.memory_space<vmem>>
    %dma_start3A_382 = arith.constant 0 : i32
    %dma_start3A_383 = tpu.memref_slice %arg3[%squeeze3A_69, %dma_start3A_382] : memref<2010x300xf32, #tpu.memory_space<hbm>> -> memref<1x300xf32, #tpu.memory_space<hbm>>
    %dma_start3A_384 = arith.constant 31 : i32
    %dma_start3A_385 = arith.constant 0 : i32
    %dma_start3A_386 = tpu.memref_slice %arg6[%dma_start3A_384, %dma_start3A_385] : memref<32x300xf32, #tpu.memory_space<vmem>> -> memref<1x300xf32, #tpu.memory_space<vmem>>
    %dma_start3A_387 = arith.constant 0 : i32
    %dma_start3A_388 = tpu.memref_slice %arg3[%squeeze3A_69, %dma_start3A_387] : memref<2010x300xf32, #tpu.memory_space<hbm>> -> memref<1x300xf32, #tpu.memory_space<hbm>>
    tpu.enqueue_dma source(%dma_start3A_388 : memref<1x300xf32, #tpu.memory_space<hbm>>) target(%dma_start3A_386 : memref<1x300xf32, #tpu.memory_space<vmem>>) target_semaphore(%arg7 : memref<!tpu.dma_semaphore, #tpu.memory_space<semaphore_mem>>)
    %dma_wait3A = arith.constant 0 : i32
    %dma_wait3A_389 = arith.constant 0 : i32
    %dma_wait3A_390 = tpu.memref_slice %arg6[%dma_wait3A, %dma_wait3A_389] : memref<32x300xf32, #tpu.memory_space<vmem>> -> memref<1x300xf32, #tpu.memory_space<vmem>>
    %dma_wait3A_391 = arith.constant 0 : i32
    %dma_wait3A_392 = tpu.memref_slice %arg3[%squeeze3A, %dma_wait3A_391] : memref<2010x300xf32, #tpu.memory_space<hbm>> -> memref<1x300xf32, #tpu.memory_space<hbm>>
    %dma_wait3A_393 = arith.constant 0 : i32
    %dma_wait3A_394 = arith.constant 0 : i32
    %dma_wait3A_395 = tpu.memref_slice %arg6[%dma_wait3A_393, %dma_wait3A_394] : memref<32x300xf32, #tpu.memory_space<vmem>> -> memref<1x300xf32, #tpu.memory_space<vmem>>
    %dma_wait3A_396 = arith.constant 0 : i32
    %dma_wait3A_397 = tpu.memref_slice %arg3[%squeeze3A, %dma_wait3A_396] : memref<2010x300xf32, #tpu.memory_space<hbm>> -> memref<1x300xf32, #tpu.memory_space<hbm>>
    tpu.wait_dma2 semaphore(%arg7 : memref<!tpu.dma_semaphore, #tpu.memory_space<semaphore_mem>>) src(%dma_wait3A_397 : memref<1x300xf32, #tpu.memory_space<hbm>>) dst(%dma_wait3A_395 : memref<1x300xf32, #tpu.memory_space<vmem>>)
    %dma_wait3A_398 = arith.constant 1 : i32
    %dma_wait3A_399 = arith.constant 0 : i32
    %dma_wait3A_400 = tpu.memref_slice %arg6[%dma_wait3A_398, %dma_wait3A_399] : memref<32x300xf32, #tpu.memory_space<vmem>> -> memref<1x300xf32, #tpu.memory_space<vmem>>
    %dma_wait3A_401 = arith.constant 0 : i32
    %dma_wait3A_402 = tpu.memref_slice %arg3[%squeeze3A_6, %dma_wait3A_401] : memref<2010x300xf32, #tpu.memory_space<hbm>> -> memref<1x300xf32, #tpu.memory_space<hbm>>
    %dma_wait3A_403 = arith.constant 1 : i32
    %dma_wait3A_404 = arith.constant 0 : i32
    %dma_wait3A_405 = tpu.memref_slice %arg6[%dma_wait3A_403, %dma_wait3A_404] : memref<32x300xf32, #tpu.memory_space<vmem>> -> memref<1x300xf32, #tpu.memory_space<vmem>>
    %dma_wait3A_406 = arith.constant 0 : i32
    %dma_wait3A_407 = tpu.memref_slice %arg3[%squeeze3A_6, %dma_wait3A_406] : memref<2010x300xf32, #tpu.memory_space<hbm>> -> memref<1x300xf32, #tpu.memory_space<hbm>>
    tpu.wait_dma2 semaphore(%arg7 : memref<!tpu.dma_semaphore, #tpu.memory_space<semaphore_mem>>) src(%dma_wait3A_407 : memref<1x300xf32, #tpu.memory_space<hbm>>) dst(%dma_wait3A_405 : memref<1x300xf32, #tpu.memory_space<vmem>>)
    %dma_wait3A_408 = arith.constant 2 : i32
    %dma_wait3A_409 = arith.constant 0 : i32
    %dma_wait3A_410 = tpu.memref_slice %arg6[%dma_wait3A_408, %dma_wait3A_409] : memref<32x300xf32, #tpu.memory_space<vmem>> -> memref<1x300xf32, #tpu.memory_space<vmem>>
    %dma_wait3A_411 = arith.constant 0 : i32
    %dma_wait3A_412 = tpu.memref_slice %arg3[%squeeze3A_8, %dma_wait3A_411] : memref<2010x300xf32, #tpu.memory_space<hbm>> -> memref<1x300xf32, #tpu.memory_space<hbm>>
    %dma_wait3A_413 = arith.constant 2 : i32
    %dma_wait3A_414 = arith.constant 0 : i32
    %dma_wait3A_415 = tpu.memref_slice %arg6[%dma_wait3A_413, %dma_wait3A_414] : memref<32x300xf32, #tpu.memory_space<vmem>> -> memref<1x300xf32, #tpu.memory_space<vmem>>
    %dma_wait3A_416 = arith.constant 0 : i32
    %dma_wait3A_417 = tpu.memref_slice %arg3[%squeeze3A_8, %dma_wait3A_416] : memref<2010x300xf32, #tpu.memory_space<hbm>> -> memref<1x300xf32, #tpu.memory_space<hbm>>
    tpu.wait_dma2 semaphore(%arg7 : memref<!tpu.dma_semaphore, #tpu.memory_space<semaphore_mem>>) src(%dma_wait3A_417 : memref<1x300xf32, #tpu.memory_space<hbm>>) dst(%dma_wait3A_415 : memref<1x300xf32, #tpu.memory_space<vmem>>)
    %dma_wait3A_418 = arith.constant 3 : i32
    %dma_wait3A_419 = arith.constant 0 : i32
    %dma_wait3A_420 = tpu.memref_slice %arg6[%dma_wait3A_418, %dma_wait3A_419] : memref<32x300xf32, #tpu.memory_space<vmem>> -> memref<1x300xf32, #tpu.memory_space<vmem>>
    %dma_wait3A_421 = arith.constant 0 : i32
    %dma_wait3A_422 = tpu.memref_slice %arg3[%squeeze3A_10, %dma_wait3A_421] : memref<2010x300xf32, #tpu.memory_space<hbm>> -> memref<1x300xf32, #tpu.memory_space<hbm>>
    %dma_wait3A_423 = arith.constant 3 : i32
    %dma_wait3A_424 = arith.constant 0 : i32
    %dma_wait3A_425 = tpu.memref_slice %arg6[%dma_wait3A_423, %dma_wait3A_424] : memref<32x300xf32, #tpu.memory_space<vmem>> -> memref<1x300xf32, #tpu.memory_space<vmem>>
    %dma_wait3A_426 = arith.constant 0 : i32
    %dma_wait3A_427 = tpu.memref_slice %arg3[%squeeze3A_10, %dma_wait3A_426] : memref<2010x300xf32, #tpu.memory_space<hbm>> -> memref<1x300xf32, #tpu.memory_space<hbm>>
    tpu.wait_dma2 semaphore(%arg7 : memref<!tpu.dma_semaphore, #tpu.memory_space<semaphore_mem>>) src(%dma_wait3A_427 : memref<1x300xf32, #tpu.memory_space<hbm>>) dst(%dma_wait3A_425 : memref<1x300xf32, #tpu.memory_space<vmem>>)
    %dma_wait3A_428 = arith.constant 4 : i32
    %dma_wait3A_429 = arith.constant 0 : i32
    %dma_wait3A_430 = tpu.memref_slice %arg6[%dma_wait3A_428, %dma_wait3A_429] : memref<32x300xf32, #tpu.memory_space<vmem>> -> memref<1x300xf32, #tpu.memory_space<vmem>>
    %dma_wait3A_431 = arith.constant 0 : i32
    %dma_wait3A_432 = tpu.memref_slice %arg3[%squeeze3A_12, %dma_wait3A_431] : memref<2010x300xf32, #tpu.memory_space<hbm>> -> memref<1x300xf32, #tpu.memory_space<hbm>>
    %dma_wait3A_433 = arith.constant 4 : i32
    %dma_wait3A_434 = arith.constant 0 : i32
    %dma_wait3A_435 = tpu.memref_slice %arg6[%dma_wait3A_433, %dma_wait3A_434] : memref<32x300xf32, #tpu.memory_space<vmem>> -> memref<1x300xf32, #tpu.memory_space<vmem>>
    %dma_wait3A_436 = arith.constant 0 : i32
    %dma_wait3A_437 = tpu.memref_slice %arg3[%squeeze3A_12, %dma_wait3A_436] : memref<2010x300xf32, #tpu.memory_space<hbm>> -> memref<1x300xf32, #tpu.memory_space<hbm>>
    tpu.wait_dma2 semaphore(%arg7 : memref<!tpu.dma_semaphore, #tpu.memory_space<semaphore_mem>>) src(%dma_wait3A_437 : memref<1x300xf32, #tpu.memory_space<hbm>>) dst(%dma_wait3A_435 : memref<1x300xf32, #tpu.memory_space<vmem>>)
    %dma_wait3A_438 = arith.constant 5 : i32
    %dma_wait3A_439 = arith.constant 0 : i32
    %dma_wait3A_440 = tpu.memref_slice %arg6[%dma_wait3A_438, %dma_wait3A_439] : memref<32x300xf32, #tpu.memory_space<vmem>> -> memref<1x300xf32, #tpu.memory_space<vmem>>
    %dma_wait3A_441 = arith.constant 0 : i32
    %dma_wait3A_442 = tpu.memref_slice %arg3[%squeeze3A_14, %dma_wait3A_441] : memref<2010x300xf32, #tpu.memory_space<hbm>> -> memref<1x300xf32, #tpu.memory_space<hbm>>
    %dma_wait3A_443 = arith.constant 5 : i32
    %dma_wait3A_444 = arith.constant 0 : i32
    %dma_wait3A_445 = tpu.memref_slice %arg6[%dma_wait3A_443, %dma_wait3A_444] : memref<32x300xf32, #tpu.memory_space<vmem>> -> memref<1x300xf32, #tpu.memory_space<vmem>>
    %dma_wait3A_446 = arith.constant 0 : i32
    %dma_wait3A_447 = tpu.memref_slice %arg3[%squeeze3A_14, %dma_wait3A_446] : memref<2010x300xf32, #tpu.memory_space<hbm>> -> memref<1x300xf32, #tpu.memory_space<hbm>>
    tpu.wait_dma2 semaphore(%arg7 : memref<!tpu.dma_semaphore, #tpu.memory_space<semaphore_mem>>) src(%dma_wait3A_447 : memref<1x300xf32, #tpu.memory_space<hbm>>) dst(%dma_wait3A_445 : memref<1x300xf32, #tpu.memory_space<vmem>>)
    %dma_wait3A_448 = arith.constant 6 : i32
    %dma_wait3A_449 = arith.constant 0 : i32
    %dma_wait3A_450 = tpu.memref_slice %arg6[%dma_wait3A_448, %dma_wait3A_449] : memref<32x300xf32, #tpu.memory_space<vmem>> -> memref<1x300xf32, #tpu.memory_space<vmem>>
    %dma_wait3A_451 = arith.constant 0 : i32
    %dma_wait3A_452 = tpu.memref_slice %arg3[%squeeze3A_16, %dma_wait3A_451] : memref<2010x300xf32, #tpu.memory_space<hbm>> -> memref<1x300xf32, #tpu.memory_space<hbm>>
    %dma_wait3A_453 = arith.constant 6 : i32
    %dma_wait3A_454 = arith.constant 0 : i32
    %dma_wait3A_455 = tpu.memref_slice %arg6[%dma_wait3A_453, %dma_wait3A_454] : memref<32x300xf32, #tpu.memory_space<vmem>> -> memref<1x300xf32, #tpu.memory_space<vmem>>
    %dma_wait3A_456 = arith.constant 0 : i32
    %dma_wait3A_457 = tpu.memref_slice %arg3[%squeeze3A_16, %dma_wait3A_456] : memref<2010x300xf32, #tpu.memory_space<hbm>> -> memref<1x300xf32, #tpu.memory_space<hbm>>
    tpu.wait_dma2 semaphore(%arg7 : memref<!tpu.dma_semaphore, #tpu.memory_space<semaphore_mem>>) src(%dma_wait3A_457 : memref<1x300xf32, #tpu.memory_space<hbm>>) dst(%dma_wait3A_455 : memref<1x300xf32, #tpu.memory_space<vmem>>)
    %dma_wait3A_458 = arith.constant 7 : i32
    %dma_wait3A_459 = arith.constant 0 : i32
    %dma_wait3A_460 = tpu.memref_slice %arg6[%dma_wait3A_458, %dma_wait3A_459] : memref<32x300xf32, #tpu.memory_space<vmem>> -> memref<1x300xf32, #tpu.memory_space<vmem>>
    %dma_wait3A_461 = arith.constant 0 : i32
    %dma_wait3A_462 = tpu.memref_slice %arg3[%squeeze3A_18, %dma_wait3A_461] : memref<2010x300xf32, #tpu.memory_space<hbm>> -> memref<1x300xf32, #tpu.memory_space<hbm>>
    %dma_wait3A_463 = arith.constant 7 : i32
    %dma_wait3A_464 = arith.constant 0 : i32
    %dma_wait3A_465 = tpu.memref_slice %arg6[%dma_wait3A_463, %dma_wait3A_464] : memref<32x300xf32, #tpu.memory_space<vmem>> -> memref<1x300xf32, #tpu.memory_space<vmem>>
    %dma_wait3A_466 = arith.constant 0 : i32
    %dma_wait3A_467 = tpu.memref_slice %arg3[%squeeze3A_18, %dma_wait3A_466] : memref<2010x300xf32, #tpu.memory_space<hbm>> -> memref<1x300xf32, #tpu.memory_space<hbm>>
    tpu.wait_dma2 semaphore(%arg7 : memref<!tpu.dma_semaphore, #tpu.memory_space<semaphore_mem>>) src(%dma_wait3A_467 : memref<1x300xf32, #tpu.memory_space<hbm>>) dst(%dma_wait3A_465 : memref<1x300xf32, #tpu.memory_space<vmem>>)
    %dma_wait3A_468 = arith.constant 8 : i32
    %dma_wait3A_469 = arith.constant 0 : i32
    %dma_wait3A_470 = tpu.memref_slice %arg6[%dma_wait3A_468, %dma_wait3A_469] : memref<32x300xf32, #tpu.memory_space<vmem>> -> memref<1x300xf32, #tpu.memory_space<vmem>>
    %dma_wait3A_471 = arith.constant 0 : i32
    %dma_wait3A_472 = tpu.memref_slice %arg3[%squeeze3A_20, %dma_wait3A_471] : memref<2010x300xf32, #tpu.memory_space<hbm>> -> memref<1x300xf32, #tpu.memory_space<hbm>>
    %dma_wait3A_473 = arith.constant 8 : i32
    %dma_wait3A_474 = arith.constant 0 : i32
    %dma_wait3A_475 = tpu.memref_slice %arg6[%dma_wait3A_473, %dma_wait3A_474] : memref<32x300xf32, #tpu.memory_space<vmem>> -> memref<1x300xf32, #tpu.memory_space<vmem>>
    %dma_wait3A_476 = arith.constant 0 : i32
    %dma_wait3A_477 = tpu.memref_slice %arg3[%squeeze3A_20, %dma_wait3A_476] : memref<2010x300xf32, #tpu.memory_space<hbm>> -> memref<1x300xf32, #tpu.memory_space<hbm>>
    tpu.wait_dma2 semaphore(%arg7 : memref<!tpu.dma_semaphore, #tpu.memory_space<semaphore_mem>>) src(%dma_wait3A_477 : memref<1x300xf32, #tpu.memory_space<hbm>>) dst(%dma_wait3A_475 : memref<1x300xf32, #tpu.memory_space<vmem>>)
    %dma_wait3A_478 = arith.constant 9 : i32
    %dma_wait3A_479 = arith.constant 0 : i32
    %dma_wait3A_480 = tpu.memref_slice %arg6[%dma_wait3A_478, %dma_wait3A_479] : memref<32x300xf32, #tpu.memory_space<vmem>> -> memref<1x300xf32, #tpu.memory_space<vmem>>
    %dma_wait3A_481 = arith.constant 0 : i32
    %dma_wait3A_482 = tpu.memref_slice %arg3[%squeeze3A_22, %dma_wait3A_481] : memref<2010x300xf32, #tpu.memory_space<hbm>> -> memref<1x300xf32, #tpu.memory_space<hbm>>
    %dma_wait3A_483 = arith.constant 9 : i32
    %dma_wait3A_484 = arith.constant 0 : i32
    %dma_wait3A_485 = tpu.memref_slice %arg6[%dma_wait3A_483, %dma_wait3A_484] : memref<32x300xf32, #tpu.memory_space<vmem>> -> memref<1x300xf32, #tpu.memory_space<vmem>>
    %dma_wait3A_486 = arith.constant 0 : i32
    %dma_wait3A_487 = tpu.memref_slice %arg3[%squeeze3A_22, %dma_wait3A_486] : memref<2010x300xf32, #tpu.memory_space<hbm>> -> memref<1x300xf32, #tpu.memory_space<hbm>>
    tpu.wait_dma2 semaphore(%arg7 : memref<!tpu.dma_semaphore, #tpu.memory_space<semaphore_mem>>) src(%dma_wait3A_487 : memref<1x300xf32, #tpu.memory_space<hbm>>) dst(%dma_wait3A_485 : memref<1x300xf32, #tpu.memory_space<vmem>>)
    %dma_wait3A_488 = arith.constant 10 : i32
    %dma_wait3A_489 = arith.constant 0 : i32
    %dma_wait3A_490 = tpu.memref_slice %arg6[%dma_wait3A_488, %dma_wait3A_489] : memref<32x300xf32, #tpu.memory_space<vmem>> -> memref<1x300xf32, #tpu.memory_space<vmem>>
    %dma_wait3A_491 = arith.constant 0 : i32
    %dma_wait3A_492 = tpu.memref_slice %arg3[%squeeze3A_24, %dma_wait3A_491] : memref<2010x300xf32, #tpu.memory_space<hbm>> -> memref<1x300xf32, #tpu.memory_space<hbm>>
    %dma_wait3A_493 = arith.constant 10 : i32
    %dma_wait3A_494 = arith.constant 0 : i32
    %dma_wait3A_495 = tpu.memref_slice %arg6[%dma_wait3A_493, %dma_wait3A_494] : memref<32x300xf32, #tpu.memory_space<vmem>> -> memref<1x300xf32, #tpu.memory_space<vmem>>
    %dma_wait3A_496 = arith.constant 0 : i32
    %dma_wait3A_497 = tpu.memref_slice %arg3[%squeeze3A_24, %dma_wait3A_496] : memref<2010x300xf32, #tpu.memory_space<hbm>> -> memref<1x300xf32, #tpu.memory_space<hbm>>
    tpu.wait_dma2 semaphore(%arg7 : memref<!tpu.dma_semaphore, #tpu.memory_space<semaphore_mem>>) src(%dma_wait3A_497 : memref<1x300xf32, #tpu.memory_space<hbm>>) dst(%dma_wait3A_495 : memref<1x300xf32, #tpu.memory_space<vmem>>)
    %dma_wait3A_498 = arith.constant 11 : i32
    %dma_wait3A_499 = arith.constant 0 : i32
    %dma_wait3A_500 = tpu.memref_slice %arg6[%dma_wait3A_498, %dma_wait3A_499] : memref<32x300xf32, #tpu.memory_space<vmem>> -> memref<1x300xf32, #tpu.memory_space<vmem>>
    %dma_wait3A_501 = arith.constant 0 : i32
    %dma_wait3A_502 = tpu.memref_slice %arg3[%squeeze3A_26, %dma_wait3A_501] : memref<2010x300xf32, #tpu.memory_space<hbm>> -> memref<1x300xf32, #tpu.memory_space<hbm>>
    %dma_wait3A_503 = arith.constant 11 : i32
    %dma_wait3A_504 = arith.constant 0 : i32
    %dma_wait3A_505 = tpu.memref_slice %arg6[%dma_wait3A_503, %dma_wait3A_504] : memref<32x300xf32, #tpu.memory_space<vmem>> -> memref<1x300xf32, #tpu.memory_space<vmem>>
    %dma_wait3A_506 = arith.constant 0 : i32
    %dma_wait3A_507 = tpu.memref_slice %arg3[%squeeze3A_26, %dma_wait3A_506] : memref<2010x300xf32, #tpu.memory_space<hbm>> -> memref<1x300xf32, #tpu.memory_space<hbm>>
    tpu.wait_dma2 semaphore(%arg7 : memref<!tpu.dma_semaphore, #tpu.memory_space<semaphore_mem>>) src(%dma_wait3A_507 : memref<1x300xf32, #tpu.memory_space<hbm>>) dst(%dma_wait3A_505 : memref<1x300xf32, #tpu.memory_space<vmem>>)
    %dma_wait3A_508 = arith.constant 12 : i32
    %dma_wait3A_509 = arith.constant 0 : i32
    %dma_wait3A_510 = tpu.memref_slice %arg6[%dma_wait3A_508, %dma_wait3A_509] : memref<32x300xf32, #tpu.memory_space<vmem>> -> memref<1x300xf32, #tpu.memory_space<vmem>>
    %dma_wait3A_511 = arith.constant 0 : i32
    %dma_wait3A_512 = tpu.memref_slice %arg3[%squeeze3A_28, %dma_wait3A_511] : memref<2010x300xf32, #tpu.memory_space<hbm>> -> memref<1x300xf32, #tpu.memory_space<hbm>>
    %dma_wait3A_513 = arith.constant 12 : i32
    %dma_wait3A_514 = arith.constant 0 : i32
    %dma_wait3A_515 = tpu.memref_slice %arg6[%dma_wait3A_513, %dma_wait3A_514] : memref<32x300xf32, #tpu.memory_space<vmem>> -> memref<1x300xf32, #tpu.memory_space<vmem>>
    %dma_wait3A_516 = arith.constant 0 : i32
    %dma_wait3A_517 = tpu.memref_slice %arg3[%squeeze3A_28, %dma_wait3A_516] : memref<2010x300xf32, #tpu.memory_space<hbm>> -> memref<1x300xf32, #tpu.memory_space<hbm>>
    tpu.wait_dma2 semaphore(%arg7 : memref<!tpu.dma_semaphore, #tpu.memory_space<semaphore_mem>>) src(%dma_wait3A_517 : memref<1x300xf32, #tpu.memory_space<hbm>>) dst(%dma_wait3A_515 : memref<1x300xf32, #tpu.memory_space<vmem>>)
    %dma_wait3A_518 = arith.constant 13 : i32
    %dma_wait3A_519 = arith.constant 0 : i32
    %dma_wait3A_520 = tpu.memref_slice %arg6[%dma_wait3A_518, %dma_wait3A_519] : memref<32x300xf32, #tpu.memory_space<vmem>> -> memref<1x300xf32, #tpu.memory_space<vmem>>
    %dma_wait3A_521 = arith.constant 0 : i32
    %dma_wait3A_522 = tpu.memref_slice %arg3[%squeeze3A_30, %dma_wait3A_521] : memref<2010x300xf32, #tpu.memory_space<hbm>> -> memref<1x300xf32, #tpu.memory_space<hbm>>
    %dma_wait3A_523 = arith.constant 13 : i32
    %dma_wait3A_524 = arith.constant 0 : i32
    %dma_wait3A_525 = tpu.memref_slice %arg6[%dma_wait3A_523, %dma_wait3A_524] : memref<32x300xf32, #tpu.memory_space<vmem>> -> memref<1x300xf32, #tpu.memory_space<vmem>>
    %dma_wait3A_526 = arith.constant 0 : i32
    %dma_wait3A_527 = tpu.memref_slice %arg3[%squeeze3A_30, %dma_wait3A_526] : memref<2010x300xf32, #tpu.memory_space<hbm>> -> memref<1x300xf32, #tpu.memory_space<hbm>>
    tpu.wait_dma2 semaphore(%arg7 : memref<!tpu.dma_semaphore, #tpu.memory_space<semaphore_mem>>) src(%dma_wait3A_527 : memref<1x300xf32, #tpu.memory_space<hbm>>) dst(%dma_wait3A_525 : memref<1x300xf32, #tpu.memory_space<vmem>>)
    %dma_wait3A_528 = arith.constant 14 : i32
    %dma_wait3A_529 = arith.constant 0 : i32
    %dma_wait3A_530 = tpu.memref_slice %arg6[%dma_wait3A_528, %dma_wait3A_529] : memref<32x300xf32, #tpu.memory_space<vmem>> -> memref<1x300xf32, #tpu.memory_space<vmem>>
    %dma_wait3A_531 = arith.constant 0 : i32
    %dma_wait3A_532 = tpu.memref_slice %arg3[%squeeze3A_32, %dma_wait3A_531] : memref<2010x300xf32, #tpu.memory_space<hbm>> -> memref<1x300xf32, #tpu.memory_space<hbm>>
    %dma_wait3A_533 = arith.constant 14 : i32
    %dma_wait3A_534 = arith.constant 0 : i32
    %dma_wait3A_535 = tpu.memref_slice %arg6[%dma_wait3A_533, %dma_wait3A_534] : memref<32x300xf32, #tpu.memory_space<vmem>> -> memref<1x300xf32, #tpu.memory_space<vmem>>
    %dma_wait3A_536 = arith.constant 0 : i32
    %dma_wait3A_537 = tpu.memref_slice %arg3[%squeeze3A_32, %dma_wait3A_536] : memref<2010x300xf32, #tpu.memory_space<hbm>> -> memref<1x300xf32, #tpu.memory_space<hbm>>
    tpu.wait_dma2 semaphore(%arg7 : memref<!tpu.dma_semaphore, #tpu.memory_space<semaphore_mem>>) src(%dma_wait3A_537 : memref<1x300xf32, #tpu.memory_space<hbm>>) dst(%dma_wait3A_535 : memref<1x300xf32, #tpu.memory_space<vmem>>)
    %dma_wait3A_538 = arith.constant 15 : i32
    %dma_wait3A_539 = arith.constant 0 : i32
    %dma_wait3A_540 = tpu.memref_slice %arg6[%dma_wait3A_538, %dma_wait3A_539] : memref<32x300xf32, #tpu.memory_space<vmem>> -> memref<1x300xf32, #tpu.memory_space<vmem>>
    %dma_wait3A_541 = arith.constant 0 : i32
    %dma_wait3A_542 = tpu.memref_slice %arg3[%squeeze3A_34, %dma_wait3A_541] : memref<2010x300xf32, #tpu.memory_space<hbm>> -> memref<1x300xf32, #tpu.memory_space<hbm>>
    %dma_wait3A_543 = arith.constant 15 : i32
    %dma_wait3A_544 = arith.constant 0 : i32
    %dma_wait3A_545 = tpu.memref_slice %arg6[%dma_wait3A_543, %dma_wait3A_544] : memref<32x300xf32, #tpu.memory_space<vmem>> -> memref<1x300xf32, #tpu.memory_space<vmem>>
    %dma_wait3A_546 = arith.constant 0 : i32
    %dma_wait3A_547 = tpu.memref_slice %arg3[%squeeze3A_34, %dma_wait3A_546] : memref<2010x300xf32, #tpu.memory_space<hbm>> -> memref<1x300xf32, #tpu.memory_space<hbm>>
    tpu.wait_dma2 semaphore(%arg7 : memref<!tpu.dma_semaphore, #tpu.memory_space<semaphore_mem>>) src(%dma_wait3A_547 : memref<1x300xf32, #tpu.memory_space<hbm>>) dst(%dma_wait3A_545 : memref<1x300xf32, #tpu.memory_space<vmem>>)
    %dma_wait3A_548 = arith.constant 16 : i32
    %dma_wait3A_549 = arith.constant 0 : i32
    %dma_wait3A_550 = tpu.memref_slice %arg6[%dma_wait3A_548, %dma_wait3A_549] : memref<32x300xf32, #tpu.memory_space<vmem>> -> memref<1x300xf32, #tpu.memory_space<vmem>>
    %dma_wait3A_551 = arith.constant 0 : i32
    %dma_wait3A_552 = tpu.memref_slice %arg3[%squeeze3A_39, %dma_wait3A_551] : memref<2010x300xf32, #tpu.memory_space<hbm>> -> memref<1x300xf32, #tpu.memory_space<hbm>>
    %dma_wait3A_553 = arith.constant 16 : i32
    %dma_wait3A_554 = arith.constant 0 : i32
    %dma_wait3A_555 = tpu.memref_slice %arg6[%dma_wait3A_553, %dma_wait3A_554] : memref<32x300xf32, #tpu.memory_space<vmem>> -> memref<1x300xf32, #tpu.memory_space<vmem>>
    %dma_wait3A_556 = arith.constant 0 : i32
    %dma_wait3A_557 = tpu.memref_slice %arg3[%squeeze3A_39, %dma_wait3A_556] : memref<2010x300xf32, #tpu.memory_space<hbm>> -> memref<1x300xf32, #tpu.memory_space<hbm>>
    tpu.wait_dma2 semaphore(%arg7 : memref<!tpu.dma_semaphore, #tpu.memory_space<semaphore_mem>>) src(%dma_wait3A_557 : memref<1x300xf32, #tpu.memory_space<hbm>>) dst(%dma_wait3A_555 : memref<1x300xf32, #tpu.memory_space<vmem>>)
    %dma_wait3A_558 = arith.constant 17 : i32
    %dma_wait3A_559 = arith.constant 0 : i32
    %dma_wait3A_560 = tpu.memref_slice %arg6[%dma_wait3A_558, %dma_wait3A_559] : memref<32x300xf32, #tpu.memory_space<vmem>> -> memref<1x300xf32, #tpu.memory_space<vmem>>
    %dma_wait3A_561 = arith.constant 0 : i32
    %dma_wait3A_562 = tpu.memref_slice %arg3[%squeeze3A_41, %dma_wait3A_561] : memref<2010x300xf32, #tpu.memory_space<hbm>> -> memref<1x300xf32, #tpu.memory_space<hbm>>
    %dma_wait3A_563 = arith.constant 17 : i32
    %dma_wait3A_564 = arith.constant 0 : i32
    %dma_wait3A_565 = tpu.memref_slice %arg6[%dma_wait3A_563, %dma_wait3A_564] : memref<32x300xf32, #tpu.memory_space<vmem>> -> memref<1x300xf32, #tpu.memory_space<vmem>>
    %dma_wait3A_566 = arith.constant 0 : i32
    %dma_wait3A_567 = tpu.memref_slice %arg3[%squeeze3A_41, %dma_wait3A_566] : memref<2010x300xf32, #tpu.memory_space<hbm>> -> memref<1x300xf32, #tpu.memory_space<hbm>>
    tpu.wait_dma2 semaphore(%arg7 : memref<!tpu.dma_semaphore, #tpu.memory_space<semaphore_mem>>) src(%dma_wait3A_567 : memref<1x300xf32, #tpu.memory_space<hbm>>) dst(%dma_wait3A_565 : memref<1x300xf32, #tpu.memory_space<vmem>>)
    %dma_wait3A_568 = arith.constant 18 : i32
    %dma_wait3A_569 = arith.constant 0 : i32
    %dma_wait3A_570 = tpu.memref_slice %arg6[%dma_wait3A_568, %dma_wait3A_569] : memref<32x300xf32, #tpu.memory_space<vmem>> -> memref<1x300xf32, #tpu.memory_space<vmem>>
    %dma_wait3A_571 = arith.constant 0 : i32
    %dma_wait3A_572 = tpu.memref_slice %arg3[%squeeze3A_43, %dma_wait3A_571] : memref<2010x300xf32, #tpu.memory_space<hbm>> -> memref<1x300xf32, #tpu.memory_space<hbm>>
    %dma_wait3A_573 = arith.constant 18 : i32
    %dma_wait3A_574 = arith.constant 0 : i32
    %dma_wait3A_575 = tpu.memref_slice %arg6[%dma_wait3A_573, %dma_wait3A_574] : memref<32x300xf32, #tpu.memory_space<vmem>> -> memref<1x300xf32, #tpu.memory_space<vmem>>
    %dma_wait3A_576 = arith.constant 0 : i32
    %dma_wait3A_577 = tpu.memref_slice %arg3[%squeeze3A_43, %dma_wait3A_576] : memref<2010x300xf32, #tpu.memory_space<hbm>> -> memref<1x300xf32, #tpu.memory_space<hbm>>
    tpu.wait_dma2 semaphore(%arg7 : memref<!tpu.dma_semaphore, #tpu.memory_space<semaphore_mem>>) src(%dma_wait3A_577 : memref<1x300xf32, #tpu.memory_space<hbm>>) dst(%dma_wait3A_575 : memref<1x300xf32, #tpu.memory_space<vmem>>)
    %dma_wait3A_578 = arith.constant 19 : i32
    %dma_wait3A_579 = arith.constant 0 : i32
    %dma_wait3A_580 = tpu.memref_slice %arg6[%dma_wait3A_578, %dma_wait3A_579] : memref<32x300xf32, #tpu.memory_space<vmem>> -> memref<1x300xf32, #tpu.memory_space<vmem>>
    %dma_wait3A_581 = arith.constant 0 : i32
    %dma_wait3A_582 = tpu.memref_slice %arg3[%squeeze3A_45, %dma_wait3A_581] : memref<2010x300xf32, #tpu.memory_space<hbm>> -> memref<1x300xf32, #tpu.memory_space<hbm>>
    %dma_wait3A_583 = arith.constant 19 : i32
    %dma_wait3A_584 = arith.constant 0 : i32
    %dma_wait3A_585 = tpu.memref_slice %arg6[%dma_wait3A_583, %dma_wait3A_584] : memref<32x300xf32, #tpu.memory_space<vmem>> -> memref<1x300xf32, #tpu.memory_space<vmem>>
    %dma_wait3A_586 = arith.constant 0 : i32
    %dma_wait3A_587 = tpu.memref_slice %arg3[%squeeze3A_45, %dma_wait3A_586] : memref<2010x300xf32, #tpu.memory_space<hbm>> -> memref<1x300xf32, #tpu.memory_space<hbm>>
    tpu.wait_dma2 semaphore(%arg7 : memref<!tpu.dma_semaphore, #tpu.memory_space<semaphore_mem>>) src(%dma_wait3A_587 : memref<1x300xf32, #tpu.memory_space<hbm>>) dst(%dma_wait3A_585 : memref<1x300xf32, #tpu.memory_space<vmem>>)
    %dma_wait3A_588 = arith.constant 20 : i32
    %dma_wait3A_589 = arith.constant 0 : i32
    %dma_wait3A_590 = tpu.memref_slice %arg6[%dma_wait3A_588, %dma_wait3A_589] : memref<32x300xf32, #tpu.memory_space<vmem>> -> memref<1x300xf32, #tpu.memory_space<vmem>>
    %dma_wait3A_591 = arith.constant 0 : i32
    %dma_wait3A_592 = tpu.memref_slice %arg3[%squeeze3A_47, %dma_wait3A_591] : memref<2010x300xf32, #tpu.memory_space<hbm>> -> memref<1x300xf32, #tpu.memory_space<hbm>>
    %dma_wait3A_593 = arith.constant 20 : i32
    %dma_wait3A_594 = arith.constant 0 : i32
    %dma_wait3A_595 = tpu.memref_slice %arg6[%dma_wait3A_593, %dma_wait3A_594] : memref<32x300xf32, #tpu.memory_space<vmem>> -> memref<1x300xf32, #tpu.memory_space<vmem>>
    %dma_wait3A_596 = arith.constant 0 : i32
    %dma_wait3A_597 = tpu.memref_slice %arg3[%squeeze3A_47, %dma_wait3A_596] : memref<2010x300xf32, #tpu.memory_space<hbm>> -> memref<1x300xf32, #tpu.memory_space<hbm>>
    tpu.wait_dma2 semaphore(%arg7 : memref<!tpu.dma_semaphore, #tpu.memory_space<semaphore_mem>>) src(%dma_wait3A_597 : memref<1x300xf32, #tpu.memory_space<hbm>>) dst(%dma_wait3A_595 : memref<1x300xf32, #tpu.memory_space<vmem>>)
    %dma_wait3A_598 = arith.constant 21 : i32
    %dma_wait3A_599 = arith.constant 0 : i32
    %dma_wait3A_600 = tpu.memref_slice %arg6[%dma_wait3A_598, %dma_wait3A_599] : memref<32x300xf32, #tpu.memory_space<vmem>> -> memref<1x300xf32, #tpu.memory_space<vmem>>
    %dma_wait3A_601 = arith.constant 0 : i32
    %dma_wait3A_602 = tpu.memref_slice %arg3[%squeeze3A_49, %dma_wait3A_601] : memref<2010x300xf32, #tpu.memory_space<hbm>> -> memref<1x300xf32, #tpu.memory_space<hbm>>
    %dma_wait3A_603 = arith.constant 21 : i32
    %dma_wait3A_604 = arith.constant 0 : i32
    %dma_wait3A_605 = tpu.memref_slice %arg6[%dma_wait3A_603, %dma_wait3A_604] : memref<32x300xf32, #tpu.memory_space<vmem>> -> memref<1x300xf32, #tpu.memory_space<vmem>>
    %dma_wait3A_606 = arith.constant 0 : i32
    %dma_wait3A_607 = tpu.memref_slice %arg3[%squeeze3A_49, %dma_wait3A_606] : memref<2010x300xf32, #tpu.memory_space<hbm>> -> memref<1x300xf32, #tpu.memory_space<hbm>>
    tpu.wait_dma2 semaphore(%arg7 : memref<!tpu.dma_semaphore, #tpu.memory_space<semaphore_mem>>) src(%dma_wait3A_607 : memref<1x300xf32, #tpu.memory_space<hbm>>) dst(%dma_wait3A_605 : memref<1x300xf32, #tpu.memory_space<vmem>>)
    %dma_wait3A_608 = arith.constant 22 : i32
    %dma_wait3A_609 = arith.constant 0 : i32
    %dma_wait3A_610 = tpu.memref_slice %arg6[%dma_wait3A_608, %dma_wait3A_609] : memref<32x300xf32, #tpu.memory_space<vmem>> -> memref<1x300xf32, #tpu.memory_space<vmem>>
    %dma_wait3A_611 = arith.constant 0 : i32
    %dma_wait3A_612 = tpu.memref_slice %arg3[%squeeze3A_51, %dma_wait3A_611] : memref<2010x300xf32, #tpu.memory_space<hbm>> -> memref<1x300xf32, #tpu.memory_space<hbm>>
    %dma_wait3A_613 = arith.constant 22 : i32
    %dma_wait3A_614 = arith.constant 0 : i32
    %dma_wait3A_615 = tpu.memref_slice %arg6[%dma_wait3A_613, %dma_wait3A_614] : memref<32x300xf32, #tpu.memory_space<vmem>> -> memref<1x300xf32, #tpu.memory_space<vmem>>
    %dma_wait3A_616 = arith.constant 0 : i32
    %dma_wait3A_617 = tpu.memref_slice %arg3[%squeeze3A_51, %dma_wait3A_616] : memref<2010x300xf32, #tpu.memory_space<hbm>> -> memref<1x300xf32, #tpu.memory_space<hbm>>
    tpu.wait_dma2 semaphore(%arg7 : memref<!tpu.dma_semaphore, #tpu.memory_space<semaphore_mem>>) src(%dma_wait3A_617 : memref<1x300xf32, #tpu.memory_space<hbm>>) dst(%dma_wait3A_615 : memref<1x300xf32, #tpu.memory_space<vmem>>)
    %dma_wait3A_618 = arith.constant 23 : i32
    %dma_wait3A_619 = arith.constant 0 : i32
    %dma_wait3A_620 = tpu.memref_slice %arg6[%dma_wait3A_618, %dma_wait3A_619] : memref<32x300xf32, #tpu.memory_space<vmem>> -> memref<1x300xf32, #tpu.memory_space<vmem>>
    %dma_wait3A_621 = arith.constant 0 : i32
    %dma_wait3A_622 = tpu.memref_slice %arg3[%squeeze3A_53, %dma_wait3A_621] : memref<2010x300xf32, #tpu.memory_space<hbm>> -> memref<1x300xf32, #tpu.memory_space<hbm>>
    %dma_wait3A_623 = arith.constant 23 : i32
    %dma_wait3A_624 = arith.constant 0 : i32
    %dma_wait3A_625 = tpu.memref_slice %arg6[%dma_wait3A_623, %dma_wait3A_624] : memref<32x300xf32, #tpu.memory_space<vmem>> -> memref<1x300xf32, #tpu.memory_space<vmem>>
    %dma_wait3A_626 = arith.constant 0 : i32
    %dma_wait3A_627 = tpu.memref_slice %arg3[%squeeze3A_53, %dma_wait3A_626] : memref<2010x300xf32, #tpu.memory_space<hbm>> -> memref<1x300xf32, #tpu.memory_space<hbm>>
    tpu.wait_dma2 semaphore(%arg7 : memref<!tpu.dma_semaphore, #tpu.memory_space<semaphore_mem>>) src(%dma_wait3A_627 : memref<1x300xf32, #tpu.memory_space<hbm>>) dst(%dma_wait3A_625 : memref<1x300xf32, #tpu.memory_space<vmem>>)
    %dma_wait3A_628 = arith.constant 24 : i32
    %dma_wait3A_629 = arith.constant 0 : i32
    %dma_wait3A_630 = tpu.memref_slice %arg6[%dma_wait3A_628, %dma_wait3A_629] : memref<32x300xf32, #tpu.memory_space<vmem>> -> memref<1x300xf32, #tpu.memory_space<vmem>>
    %dma_wait3A_631 = arith.constant 0 : i32
    %dma_wait3A_632 = tpu.memref_slice %arg3[%squeeze3A_55, %dma_wait3A_631] : memref<2010x300xf32, #tpu.memory_space<hbm>> -> memref<1x300xf32, #tpu.memory_space<hbm>>
    %dma_wait3A_633 = arith.constant 24 : i32
    %dma_wait3A_634 = arith.constant 0 : i32
    %dma_wait3A_635 = tpu.memref_slice %arg6[%dma_wait3A_633, %dma_wait3A_634] : memref<32x300xf32, #tpu.memory_space<vmem>> -> memref<1x300xf32, #tpu.memory_space<vmem>>
    %dma_wait3A_636 = arith.constant 0 : i32
    %dma_wait3A_637 = tpu.memref_slice %arg3[%squeeze3A_55, %dma_wait3A_636] : memref<2010x300xf32, #tpu.memory_space<hbm>> -> memref<1x300xf32, #tpu.memory_space<hbm>>
    tpu.wait_dma2 semaphore(%arg7 : memref<!tpu.dma_semaphore, #tpu.memory_space<semaphore_mem>>) src(%dma_wait3A_637 : memref<1x300xf32, #tpu.memory_space<hbm>>) dst(%dma_wait3A_635 : memref<1x300xf32, #tpu.memory_space<vmem>>)
    %dma_wait3A_638 = arith.constant 25 : i32
    %dma_wait3A_639 = arith.constant 0 : i32
    %dma_wait3A_640 = tpu.memref_slice %arg6[%dma_wait3A_638, %dma_wait3A_639] : memref<32x300xf32, #tpu.memory_space<vmem>> -> memref<1x300xf32, #tpu.memory_space<vmem>>
    %dma_wait3A_641 = arith.constant 0 : i32
    %dma_wait3A_642 = tpu.memref_slice %arg3[%squeeze3A_57, %dma_wait3A_641] : memref<2010x300xf32, #tpu.memory_space<hbm>> -> memref<1x300xf32, #tpu.memory_space<hbm>>
    %dma_wait3A_643 = arith.constant 25 : i32
    %dma_wait3A_644 = arith.constant 0 : i32
    %dma_wait3A_645 = tpu.memref_slice %arg6[%dma_wait3A_643, %dma_wait3A_644] : memref<32x300xf32, #tpu.memory_space<vmem>> -> memref<1x300xf32, #tpu.memory_space<vmem>>
    %dma_wait3A_646 = arith.constant 0 : i32
    %dma_wait3A_647 = tpu.memref_slice %arg3[%squeeze3A_57, %dma_wait3A_646] : memref<2010x300xf32, #tpu.memory_space<hbm>> -> memref<1x300xf32, #tpu.memory_space<hbm>>
    tpu.wait_dma2 semaphore(%arg7 : memref<!tpu.dma_semaphore, #tpu.memory_space<semaphore_mem>>) src(%dma_wait3A_647 : memref<1x300xf32, #tpu.memory_space<hbm>>) dst(%dma_wait3A_645 : memref<1x300xf32, #tpu.memory_space<vmem>>)
    %dma_wait3A_648 = arith.constant 26 : i32
    %dma_wait3A_649 = arith.constant 0 : i32
    %dma_wait3A_650 = tpu.memref_slice %arg6[%dma_wait3A_648, %dma_wait3A_649] : memref<32x300xf32, #tpu.memory_space<vmem>> -> memref<1x300xf32, #tpu.memory_space<vmem>>
    %dma_wait3A_651 = arith.constant 0 : i32
    %dma_wait3A_652 = tpu.memref_slice %arg3[%squeeze3A_59, %dma_wait3A_651] : memref<2010x300xf32, #tpu.memory_space<hbm>> -> memref<1x300xf32, #tpu.memory_space<hbm>>
    %dma_wait3A_653 = arith.constant 26 : i32
    %dma_wait3A_654 = arith.constant 0 : i32
    %dma_wait3A_655 = tpu.memref_slice %arg6[%dma_wait3A_653, %dma_wait3A_654] : memref<32x300xf32, #tpu.memory_space<vmem>> -> memref<1x300xf32, #tpu.memory_space<vmem>>
    %dma_wait3A_656 = arith.constant 0 : i32
    %dma_wait3A_657 = tpu.memref_slice %arg3[%squeeze3A_59, %dma_wait3A_656] : memref<2010x300xf32, #tpu.memory_space<hbm>> -> memref<1x300xf32, #tpu.memory_space<hbm>>
    tpu.wait_dma2 semaphore(%arg7 : memref<!tpu.dma_semaphore, #tpu.memory_space<semaphore_mem>>) src(%dma_wait3A_657 : memref<1x300xf32, #tpu.memory_space<hbm>>) dst(%dma_wait3A_655 : memref<1x300xf32, #tpu.memory_space<vmem>>)
    %dma_wait3A_658 = arith.constant 27 : i32
    %dma_wait3A_659 = arith.constant 0 : i32
    %dma_wait3A_660 = tpu.memref_slice %arg6[%dma_wait3A_658, %dma_wait3A_659] : memref<32x300xf32, #tpu.memory_space<vmem>> -> memref<1x300xf32, #tpu.memory_space<vmem>>
    %dma_wait3A_661 = arith.constant 0 : i32
    %dma_wait3A_662 = tpu.memref_slice %arg3[%squeeze3A_61, %dma_wait3A_661] : memref<2010x300xf32, #tpu.memory_space<hbm>> -> memref<1x300xf32, #tpu.memory_space<hbm>>
    %dma_wait3A_663 = arith.constant 27 : i32
    %dma_wait3A_664 = arith.constant 0 : i32
    %dma_wait3A_665 = tpu.memref_slice %arg6[%dma_wait3A_663, %dma_wait3A_664] : memref<32x300xf32, #tpu.memory_space<vmem>> -> memref<1x300xf32, #tpu.memory_space<vmem>>
    %dma_wait3A_666 = arith.constant 0 : i32
    %dma_wait3A_667 = tpu.memref_slice %arg3[%squeeze3A_61, %dma_wait3A_666] : memref<2010x300xf32, #tpu.memory_space<hbm>> -> memref<1x300xf32, #tpu.memory_space<hbm>>
    tpu.wait_dma2 semaphore(%arg7 : memref<!tpu.dma_semaphore, #tpu.memory_space<semaphore_mem>>) src(%dma_wait3A_667 : memref<1x300xf32, #tpu.memory_space<hbm>>) dst(%dma_wait3A_665 : memref<1x300xf32, #tpu.memory_space<vmem>>)
    %dma_wait3A_668 = arith.constant 28 : i32
    %dma_wait3A_669 = arith.constant 0 : i32
    %dma_wait3A_670 = tpu.memref_slice %arg6[%dma_wait3A_668, %dma_wait3A_669] : memref<32x300xf32, #tpu.memory_space<vmem>> -> memref<1x300xf32, #tpu.memory_space<vmem>>
    %dma_wait3A_671 = arith.constant 0 : i32
    %dma_wait3A_672 = tpu.memref_slice %arg3[%squeeze3A_63, %dma_wait3A_671] : memref<2010x300xf32, #tpu.memory_space<hbm>> -> memref<1x300xf32, #tpu.memory_space<hbm>>
    %dma_wait3A_673 = arith.constant 28 : i32
    %dma_wait3A_674 = arith.constant 0 : i32
    %dma_wait3A_675 = tpu.memref_slice %arg6[%dma_wait3A_673, %dma_wait3A_674] : memref<32x300xf32, #tpu.memory_space<vmem>> -> memref<1x300xf32, #tpu.memory_space<vmem>>
    %dma_wait3A_676 = arith.constant 0 : i32
    %dma_wait3A_677 = tpu.memref_slice %arg3[%squeeze3A_63, %dma_wait3A_676] : memref<2010x300xf32, #tpu.memory_space<hbm>> -> memref<1x300xf32, #tpu.memory_space<hbm>>
    tpu.wait_dma2 semaphore(%arg7 : memref<!tpu.dma_semaphore, #tpu.memory_space<semaphore_mem>>) src(%dma_wait3A_677 : memref<1x300xf32, #tpu.memory_space<hbm>>) dst(%dma_wait3A_675 : memref<1x300xf32, #tpu.memory_space<vmem>>)
    %dma_wait3A_678 = arith.constant 29 : i32
    %dma_wait3A_679 = arith.constant 0 : i32
    %dma_wait3A_680 = tpu.memref_slice %arg6[%dma_wait3A_678, %dma_wait3A_679] : memref<32x300xf32, #tpu.memory_space<vmem>> -> memref<1x300xf32, #tpu.memory_space<vmem>>
    %dma_wait3A_681 = arith.constant 0 : i32
    %dma_wait3A_682 = tpu.memref_slice %arg3[%squeeze3A_65, %dma_wait3A_681] : memref<2010x300xf32, #tpu.memory_space<hbm>> -> memref<1x300xf32, #tpu.memory_space<hbm>>
    %dma_wait3A_683 = arith.constant 29 : i32
    %dma_wait3A_684 = arith.constant 0 : i32
    %dma_wait3A_685 = tpu.memref_slice %arg6[%dma_wait3A_683, %dma_wait3A_684] : memref<32x300xf32, #tpu.memory_space<vmem>> -> memref<1x300xf32, #tpu.memory_space<vmem>>
    %dma_wait3A_686 = arith.constant 0 : i32
    %dma_wait3A_687 = tpu.memref_slice %arg3[%squeeze3A_65, %dma_wait3A_686] : memref<2010x300xf32, #tpu.memory_space<hbm>> -> memref<1x300xf32, #tpu.memory_space<hbm>>
    tpu.wait_dma2 semaphore(%arg7 : memref<!tpu.dma_semaphore, #tpu.memory_space<semaphore_mem>>) src(%dma_wait3A_687 : memref<1x300xf32, #tpu.memory_space<hbm>>) dst(%dma_wait3A_685 : memref<1x300xf32, #tpu.memory_space<vmem>>)
    %dma_wait3A_688 = arith.constant 30 : i32
    %dma_wait3A_689 = arith.constant 0 : i32
    %dma_wait3A_690 = tpu.memref_slice %arg6[%dma_wait3A_688, %dma_wait3A_689] : memref<32x300xf32, #tpu.memory_space<vmem>> -> memref<1x300xf32, #tpu.memory_space<vmem>>
    %dma_wait3A_691 = arith.constant 0 : i32
    %dma_wait3A_692 = tpu.memref_slice %arg3[%squeeze3A_67, %dma_wait3A_691] : memref<2010x300xf32, #tpu.memory_space<hbm>> -> memref<1x300xf32, #tpu.memory_space<hbm>>
    %dma_wait3A_693 = arith.constant 30 : i32
    %dma_wait3A_694 = arith.constant 0 : i32
    %dma_wait3A_695 = tpu.memref_slice %arg6[%dma_wait3A_693, %dma_wait3A_694] : memref<32x300xf32, #tpu.memory_space<vmem>> -> memref<1x300xf32, #tpu.memory_space<vmem>>
    %dma_wait3A_696 = arith.constant 0 : i32
    %dma_wait3A_697 = tpu.memref_slice %arg3[%squeeze3A_67, %dma_wait3A_696] : memref<2010x300xf32, #tpu.memory_space<hbm>> -> memref<1x300xf32, #tpu.memory_space<hbm>>
    tpu.wait_dma2 semaphore(%arg7 : memref<!tpu.dma_semaphore, #tpu.memory_space<semaphore_mem>>) src(%dma_wait3A_697 : memref<1x300xf32, #tpu.memory_space<hbm>>) dst(%dma_wait3A_695 : memref<1x300xf32, #tpu.memory_space<vmem>>)
    %dma_wait3A_698 = arith.constant 31 : i32
    %dma_wait3A_699 = arith.constant 0 : i32
    %dma_wait3A_700 = tpu.memref_slice %arg6[%dma_wait3A_698, %dma_wait3A_699] : memref<32x300xf32, #tpu.memory_space<vmem>> -> memref<1x300xf32, #tpu.memory_space<vmem>>
    %dma_wait3A_701 = arith.constant 0 : i32
    %dma_wait3A_702 = tpu.memref_slice %arg3[%squeeze3A_69, %dma_wait3A_701] : memref<2010x300xf32, #tpu.memory_space<hbm>> -> memref<1x300xf32, #tpu.memory_space<hbm>>
    %dma_wait3A_703 = arith.constant 31 : i32
    %dma_wait3A_704 = arith.constant 0 : i32
    %dma_wait3A_705 = tpu.memref_slice %arg6[%dma_wait3A_703, %dma_wait3A_704] : memref<32x300xf32, #tpu.memory_space<vmem>> -> memref<1x300xf32, #tpu.memory_space<vmem>>
    %dma_wait3A_706 = arith.constant 0 : i32
    %dma_wait3A_707 = tpu.memref_slice %arg3[%squeeze3A_69, %dma_wait3A_706] : memref<2010x300xf32, #tpu.memory_space<hbm>> -> memref<1x300xf32, #tpu.memory_space<hbm>>
    tpu.wait_dma2 semaphore(%arg7 : memref<!tpu.dma_semaphore, #tpu.memory_space<semaphore_mem>>) src(%dma_wait3A_707 : memref<1x300xf32, #tpu.memory_space<hbm>>) dst(%dma_wait3A_705 : memref<1x300xf32, #tpu.memory_space<vmem>>)
    %mul3A_708 = arith.constant 32 : i32
    %mul3A_709 = arith.muli %add3A, %mul3A_708 : i32
    "tpu.region"() ({
      %run_scoped3A = tpu.sem_alloc : memref<!tpu.dma_semaphore, #tpu.memory_space<semaphore_mem>>
      %dma_start3A_710 = arith.constant 0 : i32
      %dma_start3A_711 = tpu.memref_slice %arg4[%mul3A_709, %dma_start3A_710] : memref<1024x300xf32, #tpu.memory_space<hbm>> -> memref<32x300xf32, #tpu.memory_space<hbm>>
      %dma_start3A_712 = arith.constant 0 : i32
      %dma_start3A_713 = tpu.memref_slice %arg4[%mul3A_709, %dma_start3A_712] : memref<1024x300xf32, #tpu.memory_space<hbm>> -> memref<32x300xf32, #tpu.memory_space<hbm>>
      tpu.enqueue_dma source(%arg6 : memref<32x300xf32, #tpu.memory_space<vmem>>) target(%dma_start3A_713 : memref<32x300xf32, #tpu.memory_space<hbm>>) target_semaphore(%run_scoped3A : memref<!tpu.dma_semaphore, #tpu.memory_space<semaphore_mem>>)
      %dma_wait3A_714 = arith.constant 0 : i32
      %dma_wait3A_715 = tpu.memref_slice %arg4[%mul3A_709, %dma_wait3A_714] : memref<1024x300xf32, #tpu.memory_space<hbm>> -> memref<32x300xf32, #tpu.memory_space<hbm>>
      %dma_wait3A_716 = arith.constant 0 : i32
      %dma_wait3A_717 = tpu.memref_slice %arg4[%mul3A_709, %dma_wait3A_716] : memref<1024x300xf32, #tpu.memory_space<hbm>> -> memref<32x300xf32, #tpu.memory_space<hbm>>
      tpu.wait_dma2 semaphore(%run_scoped3A : memref<!tpu.dma_semaphore, #tpu.memory_space<semaphore_mem>>) src(%arg6 : memref<32x300xf32, #tpu.memory_space<vmem>>) dst(%dma_wait3A_717 : memref<32x300xf32, #tpu.memory_space<hbm>>)
      tpu.yield
    }) : () -> ()
    return
  }
}

module attributes {stable_mosaic.version = 14 : i64} {
  func.func @_tca_body(%arg0: i32, %arg1: memref<256x3xi32, #tpu.memory_space<vmem>>, %arg2: memref<256x4xi32, #tpu.memory_space<vmem>>, %arg3: memref<300x4096xf32, #tpu.memory_space<vmem>>, %arg4: memref<300x4096xf32, #tpu.memory_space<vmem>>, %arg5: memref<300x256xf32, #tpu.memory_space<vmem>>) attributes {dimension_semantics = [#tpu.dimension_semantics<arbitrary>], iteration_bounds = array<i64: 7>, scalar_prefetch = 0 : i64, scratch_operands = 0 : i64, tpu.core_type = #tpu.core_type<tc>, window_params = [{pipeline_mode = #tpu.pipeline_mode<synchronous>, transform_indices = @transform_0, window_bounds = array<i64: 256, 3>}, {pipeline_mode = #tpu.pipeline_mode<synchronous>, transform_indices = @transform_1, window_bounds = array<i64: 256, 4>}, {transform_indices = @transform_2, window_bounds = array<i64: 300, 4096>}, {transform_indices = @transform_3, window_bounds = array<i64: 300, 4096>}, {pipeline_mode = #tpu.pipeline_mode<synchronous>, transform_indices = @transform_4, window_bounds = array<i64: 300, 256>}]} {
    %lt3A = arith.constant 5 : i32
    %lt3A_0 = arith.cmpi slt, %arg0, %lt3A : i32
    %convert_element_type3A = arith.extui %lt3A_0 : i1 to i32
    %cond3A = arith.constant 0 : i32
    %cond3A_1 = arith.cmpi ne, %convert_element_type3A, %cond3A : i32
    scf.if %cond3A_1 {
      %eq3A = arith.constant 0 : i32
      %eq3A_6 = arith.cmpi eq, %arg0, %eq3A : i32
      %mul3A = arith.constant 4096 : i32
      %mul3A_7 = arith.muli %arg0, %mul3A : i32
      %iota3A = tpu.iota {dimensions = array<i32: 0>} : vector<4096x256xi32>
      %get3A = arith.constant 0 : index
      %get3A_8 = arith.constant 0 : index
      %get3A_9 = vector.load %arg1[%get3A, %get3A_8] : memref<256x3xi32, #tpu.memory_space<vmem>>, vector<256x3xi32>
      %eq3A_10 = arith.constant 1 : i32
      %eq3A_11 = vector.broadcast %eq3A_10 : i32 to vector<256x3xi32>
      %eq3A_12 = arith.cmpi eq, %get3A_9, %eq3A_11 : vector<256x3xi32>
      %jit3A = arith.constant -2 : i32
      %broadcast_in_dim3A = vector.broadcast %jit3A : i32 to vector<256x3xi32>
      %select_n3A = arith.select %eq3A_12, %broadcast_in_dim3A, %get3A_9 : vector<256x3xi1>, vector<256x3xi32>
      %sub3A = vector.broadcast %mul3A_7 : i32 to vector<256x3xi32>
      %sub3A_13 = arith.subi %select_n3A, %sub3A : vector<256x3xi32>
      %broadcast_in_dim3A_14 = arith.constant 0.000000e+00 : f32
      %broadcast_in_dim3A_15 = vector.broadcast %broadcast_in_dim3A_14 : f32 to vector<4096x256xf32>
      %slice3A = vector.extract_strided_slice %sub3A_13 {offsets = [0, 0], sizes = [256, 1], strides = [1, 1]} : vector<256x3xi32> to vector<256x1xi32>
      %squeeze3A = vector.shape_cast %slice3A : vector<256x1xi32> to vector<256xi32>
      %broadcast_in_dim3A_16 = vector.shape_cast %squeeze3A : vector<256xi32> to vector<1x256xi32>
      %eq3A_17 = vector.broadcast %broadcast_in_dim3A_16 : vector<1x256xi32> to vector<4096x256xi32>
      %eq3A_18 = arith.cmpi eq, %iota3A, %eq3A_17 : vector<4096x256xi32>
      %convert_element_type3A_19 = arith.extui %eq3A_18 : vector<4096x256xi1> to vector<4096x256xi32>
      %convert_element_type3A_20 = arith.sitofp %convert_element_type3A_19 : vector<4096x256xi32> to vector<4096x256xf32>
      %add3A = arith.addf %broadcast_in_dim3A_15, %convert_element_type3A_20 : vector<4096x256xf32>
      %slice3A_21 = vector.extract_strided_slice %sub3A_13 {offsets = [0, 1], sizes = [256, 1], strides = [1, 1]} : vector<256x3xi32> to vector<256x1xi32>
      %squeeze3A_22 = vector.shape_cast %slice3A_21 : vector<256x1xi32> to vector<256xi32>
      %broadcast_in_dim3A_23 = vector.shape_cast %squeeze3A_22 : vector<256xi32> to vector<1x256xi32>
      %eq3A_24 = vector.broadcast %broadcast_in_dim3A_23 : vector<1x256xi32> to vector<4096x256xi32>
      %eq3A_25 = arith.cmpi eq, %iota3A, %eq3A_24 : vector<4096x256xi32>
      %convert_element_type3A_26 = arith.extui %eq3A_25 : vector<4096x256xi1> to vector<4096x256xi32>
      %convert_element_type3A_27 = arith.sitofp %convert_element_type3A_26 : vector<4096x256xi32> to vector<4096x256xf32>
      %add3A_28 = arith.addf %add3A, %convert_element_type3A_27 : vector<4096x256xf32>
      %slice3A_29 = vector.extract_strided_slice %sub3A_13 {offsets = [0, 2], sizes = [256, 1], strides = [1, 1]} : vector<256x3xi32> to vector<256x1xi32>
      %squeeze3A_30 = vector.shape_cast %slice3A_29 : vector<256x1xi32> to vector<256xi32>
      %broadcast_in_dim3A_31 = vector.shape_cast %squeeze3A_30 : vector<256xi32> to vector<1x256xi32>
      %eq3A_32 = vector.broadcast %broadcast_in_dim3A_31 : vector<1x256xi32> to vector<4096x256xi32>
      %eq3A_33 = arith.cmpi eq, %iota3A, %eq3A_32 : vector<4096x256xi32>
      %convert_element_type3A_34 = arith.extui %eq3A_33 : vector<4096x256xi1> to vector<4096x256xi32>
      %convert_element_type3A_35 = arith.sitofp %convert_element_type3A_34 : vector<4096x256xi32> to vector<4096x256xf32>
      %add3A_36 = arith.addf %add3A_28, %convert_element_type3A_35 : vector<4096x256xf32>
      %get3A_37 = arith.constant 0 : index
      %get3A_38 = arith.constant 0 : index
      %get3A_39 = vector.load %arg3[%get3A_37, %get3A_38] : memref<300x4096xf32, #tpu.memory_space<vmem>>, vector<300x4096xf32>
      %is_finite3A = tpu.weird %get3A_39 : vector<300x4096xf32> -> vector<300x4096xi1>
      %is_finite3A_40 = arith.constant dense<true> : vector<300x4096xi1>
      %is_finite3A_41 = arith.xori %is_finite3A, %is_finite3A_40 : vector<300x4096xi1>
      %jit3A_42 = arith.constant 0.000000e+00 : f32
      %broadcast_in_dim3A_43 = vector.broadcast %jit3A_42 : f32 to vector<300x4096xf32>
      %select_n3A_44 = arith.select %is_finite3A_41, %get3A_39, %broadcast_in_dim3A_43 : vector<300x4096xi1>, vector<300x4096xf32>
      %convert_element_type3A_45 = arith.truncf %select_n3A_44 : vector<300x4096xf32> to vector<300x4096xbf16>
      %convert_element_type3A_46 = arith.truncf %add3A_36 : vector<4096x256xf32> to vector<4096x256xbf16>
      %dot_general3A = arith.constant dense<0.000000e+00> : vector<300x256xf32>
      %dot_general3A_47 = tpu.matmul %convert_element_type3A_45, %convert_element_type3A_46, %dot_general3A {dimension_numbers = #tpu.dot_dimension_numbers<[1], [0], [0], [1], [0, 0, 1, 1], [], []>, transpose_lhs_hint = false} : vector<300x4096xbf16>, vector<4096x256xbf16>, vector<300x256xf32> -> vector<300x256xf32>
      %convert_element_type3A_48 = arith.extui %eq3A_6 : i1 to i32
      %cond3A_49 = arith.constant 0 : i32
      %cond3A_50 = arith.cmpi ne, %convert_element_type3A_48, %cond3A_49 : i32
      scf.if %cond3A_50 {
        %swap3A = arith.constant 0 : index
        %swap3A_55 = arith.constant 0 : index
        %swap3A_56 = vector.load %arg5[%swap3A, %swap3A_55] : memref<300x256xf32, #tpu.memory_space<vmem>>, vector<300x256xf32>
        tpu.vector_store %arg5[%swap3A, %swap3A_55], %dot_general3A_47 {strides = array<i32>} : memref<300x256xf32, #tpu.memory_space<vmem>>, vector<300x256xf32>,
      } else {
      }
      %not3A = arith.constant true
      %not3A_51 = arith.xori %eq3A_6, %not3A : i1
      %convert_element_type3A_52 = arith.extui %not3A_51 : i1 to i32
      %cond3A_53 = arith.constant 0 : i32
      %cond3A_54 = arith.cmpi ne, %convert_element_type3A_52, %cond3A_53 : i32
      scf.if %cond3A_54 {
        %get3A_55 = arith.constant 0 : index
        %get3A_56 = arith.constant 0 : index
        %get3A_57 = vector.load %arg5[%get3A_55, %get3A_56] : memref<300x256xf32, #tpu.memory_space<vmem>>, vector<300x256xf32>
        %add3A_58 = arith.addf %get3A_57, %dot_general3A_47 : vector<300x256xf32>
        %swap3A = arith.constant 0 : index
        %swap3A_59 = arith.constant 0 : index
        %swap3A_60 = vector.load %arg5[%swap3A, %swap3A_59] : memref<300x256xf32, #tpu.memory_space<vmem>>, vector<300x256xf32>
        tpu.vector_store %arg5[%swap3A, %swap3A_59], %add3A_58 {strides = array<i32>} : memref<300x256xf32, #tpu.memory_space<vmem>>, vector<300x256xf32>,
      } else {
      }
    } else {
    }
    %ge3A = arith.constant 5 : i32
    %ge3A_2 = arith.cmpi sge, %arg0, %ge3A : i32
    %convert_element_type3A_3 = arith.extui %ge3A_2 : i1 to i32
    %cond3A_4 = arith.constant 0 : i32
    %cond3A_5 = arith.cmpi ne, %convert_element_type3A_3, %cond3A_4 : i32
    scf.if %cond3A_5 {
      %sub3A = arith.constant 5 : i32
      %sub3A_6 = arith.subi %arg0, %sub3A : i32
      %eq3A = arith.constant 0 : i32
      %eq3A_7 = arith.cmpi eq, %arg0, %eq3A : i32
      %mul3A = arith.constant 4096 : i32
      %mul3A_8 = arith.muli %sub3A_6, %mul3A : i32
      %iota3A = tpu.iota {dimensions = array<i32: 0>} : vector<4096x256xi32>
      %get3A = arith.constant 0 : index
      %get3A_9 = arith.constant 0 : index
      %get3A_10 = vector.load %arg2[%get3A, %get3A_9] : memref<256x4xi32, #tpu.memory_space<vmem>>, vector<256x4xi32>
      %eq3A_11 = arith.constant 1 : i32
      %eq3A_12 = vector.broadcast %eq3A_11 : i32 to vector<256x4xi32>
      %eq3A_13 = arith.cmpi eq, %get3A_10, %eq3A_12 : vector<256x4xi32>
      %jit3A = arith.constant -2 : i32
      %broadcast_in_dim3A = vector.broadcast %jit3A : i32 to vector<256x4xi32>
      %select_n3A = arith.select %eq3A_13, %broadcast_in_dim3A, %get3A_10 : vector<256x4xi1>, vector<256x4xi32>
      %sub3A_14 = vector.broadcast %mul3A_8 : i32 to vector<256x4xi32>
      %sub3A_15 = arith.subi %select_n3A, %sub3A_14 : vector<256x4xi32>
      %broadcast_in_dim3A_16 = arith.constant 0.000000e+00 : f32
      %broadcast_in_dim3A_17 = vector.broadcast %broadcast_in_dim3A_16 : f32 to vector<4096x256xf32>
      %slice3A = vector.extract_strided_slice %sub3A_15 {offsets = [0, 0], sizes = [256, 1], strides = [1, 1]} : vector<256x4xi32> to vector<256x1xi32>
      %squeeze3A = vector.shape_cast %slice3A : vector<256x1xi32> to vector<256xi32>
      %broadcast_in_dim3A_18 = vector.shape_cast %squeeze3A : vector<256xi32> to vector<1x256xi32>
      %eq3A_19 = vector.broadcast %broadcast_in_dim3A_18 : vector<1x256xi32> to vector<4096x256xi32>
      %eq3A_20 = arith.cmpi eq, %iota3A, %eq3A_19 : vector<4096x256xi32>
      %convert_element_type3A_21 = arith.extui %eq3A_20 : vector<4096x256xi1> to vector<4096x256xi32>
      %convert_element_type3A_22 = arith.sitofp %convert_element_type3A_21 : vector<4096x256xi32> to vector<4096x256xf32>
      %add3A = arith.addf %broadcast_in_dim3A_17, %convert_element_type3A_22 : vector<4096x256xf32>
      %slice3A_23 = vector.extract_strided_slice %sub3A_15 {offsets = [0, 1], sizes = [256, 1], strides = [1, 1]} : vector<256x4xi32> to vector<256x1xi32>
      %squeeze3A_24 = vector.shape_cast %slice3A_23 : vector<256x1xi32> to vector<256xi32>
      %broadcast_in_dim3A_25 = vector.shape_cast %squeeze3A_24 : vector<256xi32> to vector<1x256xi32>
      %eq3A_26 = vector.broadcast %broadcast_in_dim3A_25 : vector<1x256xi32> to vector<4096x256xi32>
      %eq3A_27 = arith.cmpi eq, %iota3A, %eq3A_26 : vector<4096x256xi32>
      %convert_element_type3A_28 = arith.extui %eq3A_27 : vector<4096x256xi1> to vector<4096x256xi32>
      %convert_element_type3A_29 = arith.sitofp %convert_element_type3A_28 : vector<4096x256xi32> to vector<4096x256xf32>
      %add3A_30 = arith.addf %add3A, %convert_element_type3A_29 : vector<4096x256xf32>
      %slice3A_31 = vector.extract_strided_slice %sub3A_15 {offsets = [0, 2], sizes = [256, 1], strides = [1, 1]} : vector<256x4xi32> to vector<256x1xi32>
      %squeeze3A_32 = vector.shape_cast %slice3A_31 : vector<256x1xi32> to vector<256xi32>
      %broadcast_in_dim3A_33 = vector.shape_cast %squeeze3A_32 : vector<256xi32> to vector<1x256xi32>
      %eq3A_34 = vector.broadcast %broadcast_in_dim3A_33 : vector<1x256xi32> to vector<4096x256xi32>
      %eq3A_35 = arith.cmpi eq, %iota3A, %eq3A_34 : vector<4096x256xi32>
      %convert_element_type3A_36 = arith.extui %eq3A_35 : vector<4096x256xi1> to vector<4096x256xi32>
      %convert_element_type3A_37 = arith.sitofp %convert_element_type3A_36 : vector<4096x256xi32> to vector<4096x256xf32>
      %add3A_38 = arith.addf %add3A_30, %convert_element_type3A_37 : vector<4096x256xf32>
      %slice3A_39 = vector.extract_strided_slice %sub3A_15 {offsets = [0, 3], sizes = [256, 1], strides = [1, 1]} : vector<256x4xi32> to vector<256x1xi32>
      %squeeze3A_40 = vector.shape_cast %slice3A_39 : vector<256x1xi32> to vector<256xi32>
      %broadcast_in_dim3A_41 = vector.shape_cast %squeeze3A_40 : vector<256xi32> to vector<1x256xi32>
      %eq3A_42 = vector.broadcast %broadcast_in_dim3A_41 : vector<1x256xi32> to vector<4096x256xi32>
      %eq3A_43 = arith.cmpi eq, %iota3A, %eq3A_42 : vector<4096x256xi32>
      %convert_element_type3A_44 = arith.extui %eq3A_43 : vector<4096x256xi1> to vector<4096x256xi32>
      %convert_element_type3A_45 = arith.sitofp %convert_element_type3A_44 : vector<4096x256xi32> to vector<4096x256xf32>
      %add3A_46 = arith.addf %add3A_38, %convert_element_type3A_45 : vector<4096x256xf32>
      %get3A_47 = arith.constant 0 : index
      %get3A_48 = arith.constant 0 : index
      %get3A_49 = vector.load %arg4[%get3A_47, %get3A_48] : memref<300x4096xf32, #tpu.memory_space<vmem>>, vector<300x4096xf32>
      %is_finite3A = tpu.weird %get3A_49 : vector<300x4096xf32> -> vector<300x4096xi1>
      %is_finite3A_50 = arith.constant dense<true> : vector<300x4096xi1>
      %is_finite3A_51 = arith.xori %is_finite3A, %is_finite3A_50 : vector<300x4096xi1>
      %jit3A_52 = arith.constant 0.000000e+00 : f32
      %broadcast_in_dim3A_53 = vector.broadcast %jit3A_52 : f32 to vector<300x4096xf32>
      %select_n3A_54 = arith.select %is_finite3A_51, %get3A_49, %broadcast_in_dim3A_53 : vector<300x4096xi1>, vector<300x4096xf32>
      %convert_element_type3A_55 = arith.truncf %select_n3A_54 : vector<300x4096xf32> to vector<300x4096xbf16>
      %convert_element_type3A_56 = arith.truncf %add3A_46 : vector<4096x256xf32> to vector<4096x256xbf16>
      %dot_general3A = arith.constant dense<0.000000e+00> : vector<300x256xf32>
      %dot_general3A_57 = tpu.matmul %convert_element_type3A_55, %convert_element_type3A_56, %dot_general3A {dimension_numbers = #tpu.dot_dimension_numbers<[1], [0], [0], [1], [0, 0, 1, 1], [], []>, transpose_lhs_hint = false} : vector<300x4096xbf16>, vector<4096x256xbf16>, vector<300x256xf32> -> vector<300x256xf32>
      %convert_element_type3A_58 = arith.extui %eq3A_7 : i1 to i32
      %cond3A_59 = arith.constant 0 : i32
      %cond3A_60 = arith.cmpi ne, %convert_element_type3A_58, %cond3A_59 : i32
      scf.if %cond3A_60 {
        %swap3A = arith.constant 0 : index
        %swap3A_65 = arith.constant 0 : index
        %swap3A_66 = vector.load %arg5[%swap3A, %swap3A_65] : memref<300x256xf32, #tpu.memory_space<vmem>>, vector<300x256xf32>
        tpu.vector_store %arg5[%swap3A, %swap3A_65], %dot_general3A_57 {strides = array<i32>} : memref<300x256xf32, #tpu.memory_space<vmem>>, vector<300x256xf32>,
      } else {
      }
      %not3A = arith.constant true
      %not3A_61 = arith.xori %eq3A_7, %not3A : i1
      %convert_element_type3A_62 = arith.extui %not3A_61 : i1 to i32
      %cond3A_63 = arith.constant 0 : i32
      %cond3A_64 = arith.cmpi ne, %convert_element_type3A_62, %cond3A_63 : i32
      scf.if %cond3A_64 {
        %get3A_65 = arith.constant 0 : index
        %get3A_66 = arith.constant 0 : index
        %get3A_67 = vector.load %arg5[%get3A_65, %get3A_66] : memref<300x256xf32, #tpu.memory_space<vmem>>, vector<300x256xf32>
        %add3A_68 = arith.addf %get3A_67, %dot_general3A_57 : vector<300x256xf32>
        %swap3A = arith.constant 0 : index
        %swap3A_69 = arith.constant 0 : index
        %swap3A_70 = vector.load %arg5[%swap3A, %swap3A_69] : memref<300x256xf32, #tpu.memory_space<vmem>>, vector<300x256xf32>
        tpu.vector_store %arg5[%swap3A, %swap3A_69], %add3A_68 {strides = array<i32>} : memref<300x256xf32, #tpu.memory_space<vmem>>, vector<300x256xf32>,
      } else {
      }
    } else {
    }
    return
  }
  func.func @transform_0(%arg0: i32) -> (i32, i32) {
    %c0_i32 = arith.constant 0 : i32
    %c0_i32_0 = arith.constant 0 : i32
    %c0_i32_1 = arith.constant 0 : i32
    return %c0_i32, %c0_i32_0 : i32, i32
  }
  func.func @transform_1(%arg0: i32) -> (i32, i32) {
    %c0_i32 = arith.constant 0 : i32
    %c0_i32_0 = arith.constant 0 : i32
    %c0_i32_1 = arith.constant 0 : i32
    return %c0_i32, %c0_i32_0 : i32, i32
  }
  func.func @transform_2(%arg0: i32) -> (i32, i32) {
    %min3A = arith.constant 4 : i32
    %min3A_0 = arith.minsi %arg0, %min3A : i32
    %c0_i32 = arith.constant 0 : i32
    %c0_i32_1 = arith.constant 0 : i32
    return %c0_i32, %min3A_0 : i32, i32
  }
  func.func @transform_3(%arg0: i32) -> (i32, i32) {
    %sub3A = arith.constant 5 : i32
    %sub3A_0 = arith.subi %arg0, %sub3A : i32
    %jit3A = arith.constant 0 : i32
    %jit3A_1 = arith.constant 1 : i32
    %max3A = arith.maxsi %jit3A, %sub3A_0 : i32
    %min3A = arith.minsi %jit3A_1, %max3A : i32
    %c0_i32 = arith.constant 0 : i32
    %c0_i32_2 = arith.constant 0 : i32
    return %c0_i32, %min3A : i32, i32
  }
  func.func @transform_4(%arg0: i32) -> (i32, i32) {
    %c0_i32 = arith.constant 0 : i32
    %c0_i32_0 = arith.constant 0 : i32
    %c0_i32_1 = arith.constant 0 : i32
    return %c0_i32, %c0_i32_0 : i32, i32
  }
}

module attributes {stable_mosaic.version = 14 : i64} {
  func.func @_tcb_body(%arg0: i32, %arg1: memref<256x4xi32, #tpu.memory_space<vmem>>, %arg2: memref<300x256xf32, #tpu.memory_space<vmem>>, %arg3: memref<1024x300xf32, #tpu.memory_space<vmem>>, %arg4: memref<256x300xi32, #tpu.memory_space<vmem>>, %arg5: memref<1x1xf32, #tpu.memory_space<vmem>>, %arg6: memref<256x300xbf16, #tpu.memory_space<vmem>>) attributes {dimension_semantics = [#tpu.dimension_semantics<arbitrary>], iteration_bounds = array<i64: 4>, scalar_prefetch = 0 : i64, scratch_operands = 1 : i64, tpu.core_type = #tpu.core_type<tc>, window_params = [{pipeline_mode = #tpu.pipeline_mode<synchronous>, transform_indices = @transform_0, window_bounds = array<i64: 256, 4>}, {pipeline_mode = #tpu.pipeline_mode<synchronous>, transform_indices = @transform_1, window_bounds = array<i64: 300, 256>}, {pipeline_mode = #tpu.pipeline_mode<synchronous>, transform_indices = @transform_2, window_bounds = array<i64: 1024, 300>}, {transform_indices = @transform_3, window_bounds = array<i64: 256, 300>}, {pipeline_mode = #tpu.pipeline_mode<synchronous>, transform_indices = @transform_4, window_bounds = array<i64: 1, 1>}]} {
    %eq3A = arith.constant 0 : i32
    %eq3A_0 = arith.cmpi eq, %arg0, %eq3A : i32
    %convert_element_type3A = arith.extui %eq3A_0 : i1 to i32
    %cond3A = arith.constant 0 : i32
    %cond3A_1 = arith.cmpi ne, %convert_element_type3A, %cond3A : i32
    scf.if %cond3A_1 {
      %get3A_37 = arith.constant 0 : index
      %get3A_38 = arith.constant 0 : index
      %get3A_39 = vector.load %arg2[%get3A_37, %get3A_38] : memref<300x256xf32, #tpu.memory_space<vmem>>, vector<300x256xf32>
      %transpose3A = tpu.transpose %get3A_39, [1, 0] : vector<300x256xf32> -> vector<256x300xf32>
      %convert_element_type3A_40 = arith.truncf %transpose3A : vector<256x300xf32> to vector<256x300xbf16>
      %swap3A_41 = arith.constant 0 : index
      %swap3A_42 = arith.constant 0 : index
      %swap3A_43 = vector.load %arg6[%swap3A_41, %swap3A_42] : memref<256x300xbf16, #tpu.memory_space<vmem>>, vector<256x300xbf16>
      tpu.vector_store %arg6[%swap3A_41, %swap3A_42], %convert_element_type3A_40 {strides = array<i32>} : memref<256x300xbf16, #tpu.memory_space<vmem>>, vector<256x300xbf16>,
      %get3A_44 = arith.constant 0 : index
      %get3A_45 = arith.constant 0 : index
      %get3A_46 = vector.load %arg3[%get3A_44, %get3A_45] : memref<1024x300xf32, #tpu.memory_space<vmem>>, vector<1024x300xf32>
      %convert_element_type3A_47 = arith.truncf %get3A_46 : vector<1024x300xf32> to vector<1024x300xbf16>
      %dot_general3A_48 = arith.constant dense<0.000000e+00> : vector<256x1024xf32>
      %dot_general3A_49 = tpu.matmul %convert_element_type3A_40, %convert_element_type3A_47, %dot_general3A_48 {dimension_numbers = #tpu.dot_dimension_numbers<[1], [1], [0], [0], [0, 0, 1, 0], [], []>, transpose_lhs_hint = false} : vector<256x300xbf16>, vector<1024x300xbf16>, vector<256x1024xf32> -> vector<256x1024xf32>
      %iota3A = tpu.iota {dimensions = array<i32: 0>} : vector<256x1024xi32>
      %iota3A_50 = tpu.iota {dimensions = array<i32: 1>} : vector<256x1024xi32>
      %jit3A = arith.constant 4 : i32
      %div3A_51 = vector.broadcast %jit3A : i32 to vector<256x1024xi32>
      %div3A_52 = arith.divsi %iota3A_50, %div3A_51 : vector<256x1024xi32>
      %sign3A = arith.constant 0 : i32
      %sign3A_53 = vector.broadcast %sign3A : i32 to vector<256x1024xi32>
      %sign3A_54 = arith.cmpi sgt, %iota3A_50, %sign3A_53 : vector<256x1024xi32>
      %sign3A_55 = arith.extui %sign3A_54 : vector<256x1024xi1> to vector<256x1024xi32>
      %sign3A_56 = arith.constant 0 : i32
      %sign3A_57 = vector.broadcast %sign3A_56 : i32 to vector<256x1024xi32>
      %sign3A_58 = arith.cmpi slt, %iota3A_50, %sign3A_57 : vector<256x1024xi32>
      %sign3A_59 = arith.extui %sign3A_58 : vector<256x1024xi1> to vector<256x1024xi32>
      %sign3A_60 = arith.subi %sign3A_55, %sign3A_59 : vector<256x1024xi32>
      %sign3A_61 = arith.constant 0 : i32
      %sign3A_62 = arith.cmpi sgt, %jit3A, %sign3A_61 : i32
      %sign3A_63 = arith.extui %sign3A_62 : i1 to i32
      %sign3A_64 = arith.constant 0 : i32
      %sign3A_65 = arith.cmpi slt, %jit3A, %sign3A_64 : i32
      %sign3A_66 = arith.extui %sign3A_65 : i1 to i32
      %sign3A_67 = arith.subi %sign3A_63, %sign3A_66 : i32
      %ne3A = vector.broadcast %sign3A_67 : i32 to vector<256x1024xi32>
      %ne3A_68 = arith.cmpi ne, %sign3A_60, %ne3A : vector<256x1024xi32>
      %rem3A = vector.broadcast %jit3A : i32 to vector<256x1024xi32>
      %rem3A_69 = arith.remsi %iota3A_50, %rem3A : vector<256x1024xi32>
      %ne3A_70 = arith.constant 0 : i32
      %ne3A_71 = vector.broadcast %ne3A_70 : i32 to vector<256x1024xi32>
      %ne3A_72 = arith.cmpi ne, %rem3A_69, %ne3A_71 : vector<256x1024xi32>
      %and3A = arith.andi %ne3A_68, %ne3A_72 : vector<256x1024xi1>
      %sub3A = arith.constant 1 : i32
      %sub3A_73 = vector.broadcast %sub3A : i32 to vector<256x1024xi32>
      %sub3A_74 = arith.subi %div3A_52, %sub3A_73 : vector<256x1024xi32>
      %select_n3A = arith.select %and3A, %sub3A_74, %div3A_52 : vector<256x1024xi1>, vector<256x1024xi32>
      %eq3A_75 = arith.cmpi eq, %select_n3A, %iota3A : vector<256x1024xi32>
      %jit3A_76 = arith.constant 0.000000e+00 : f32
      %broadcast_in_dim3A = vector.broadcast %jit3A_76 : f32 to vector<256x1024xf32>
      %select_n3A_77 = arith.select %eq3A_75, %dot_general3A_49, %broadcast_in_dim3A : vector<256x1024xi1>, vector<256x1024xf32>
      %iota3A_78 = tpu.iota {dimensions = array<i32: 0>} : vector<1024x4xi32>
      %jit3A_79 = arith.constant 4 : i32
      %eq3A_80 = arith.constant 0 : i32
      %eq3A_81 = arith.cmpi eq, %jit3A_79, %eq3A_80 : i32
      %jit3A_82 = arith.constant 1 : i32
      %select_n3A_83 = arith.select %eq3A_81, %jit3A_82, %jit3A_79 : i32
      %rem3A_84 = vector.broadcast %select_n3A_83 : i32 to vector<1024x4xi32>
      %rem3A_85 = arith.remsi %iota3A_78, %rem3A_84 : vector<1024x4xi32>
      %ne3A_86 = arith.constant 0 : i32
      %ne3A_87 = vector.broadcast %ne3A_86 : i32 to vector<1024x4xi32>
      %ne3A_88 = arith.cmpi ne, %rem3A_85, %ne3A_87 : vector<1024x4xi32>
      %lt3A = arith.constant 0 : i32
      %lt3A_89 = vector.broadcast %lt3A : i32 to vector<1024x4xi32>
      %lt3A_90 = arith.cmpi slt, %rem3A_85, %lt3A_89 : vector<1024x4xi32>
      %lt3A_91 = arith.constant 0 : i32
      %lt3A_92 = arith.cmpi slt, %select_n3A_83, %lt3A_91 : i32
      %ne3A_93 = vector.broadcast %lt3A_92 : i1 to vector<1024x4xi1>
      %ne3A_94 = vector.broadcast %ne3A_93 : vector<1024x4xi1> to vector<1024x4xi1>
      %ne3A_95 = arith.xori %lt3A_90, %ne3A_94 : vector<1024x4xi1>
      %and3A_96 = arith.andi %ne3A_95, %ne3A_88 : vector<1024x4xi1>
      %add3A_97 = vector.broadcast %select_n3A_83 : i32 to vector<1024x4xi32>
      %add3A_98 = arith.addi %rem3A_85, %add3A_97 : vector<1024x4xi32>
      %select_n3A_99 = arith.select %and3A_96, %add3A_98, %rem3A_85 : vector<1024x4xi1>, vector<1024x4xi32>
      %iota3A_100 = tpu.iota {dimensions = array<i32: 1>} : vector<1024x4xi32>
      %eq3A_101 = arith.cmpi eq, %select_n3A_99, %iota3A_100 : vector<1024x4xi32>
      %convert_element_type3A_102 = arith.extui %eq3A_101 : vector<1024x4xi1> to vector<1024x4xi32>
      %convert_element_type3A_103 = arith.sitofp %convert_element_type3A_102 : vector<1024x4xi32> to vector<1024x4xf32>
      %convert_element_type3A_104 = arith.truncf %convert_element_type3A_103 : vector<1024x4xf32> to vector<1024x4xbf16>
      %convert_element_type3A_105 = arith.truncf %select_n3A_77 : vector<256x1024xf32> to vector<256x1024xbf16>
      %dot_general3A_106 = arith.constant dense<0.000000e+00> : vector<256x4xf32>
      %dot_general3A_107 = tpu.matmul %convert_element_type3A_105, %convert_element_type3A_104, %dot_general3A_106 {dimension_numbers = #tpu.dot_dimension_numbers<[1], [0], [0], [1], [0, 0, 1, 1], [], []>, transpose_lhs_hint = false} : vector<256x1024xbf16>, vector<1024x4xbf16>, vector<256x4xf32> -> vector<256x4xf32>
      %get3A_108 = arith.constant 0 : index
      %get3A_109 = arith.constant 0 : index
      %get3A_110 = vector.load %arg1[%get3A_108, %get3A_109] : memref<256x4xi32, #tpu.memory_space<vmem>>, vector<256x4xi32>
      %ne3A_111 = arith.constant 1 : i32
      %ne3A_112 = vector.broadcast %ne3A_111 : i32 to vector<256x4xi32>
      %ne3A_113 = arith.cmpi ne, %get3A_110, %ne3A_112 : vector<256x4xi32>
      %convert_element_type3A_114 = arith.extui %ne3A_113 : vector<256x4xi1> to vector<256x4xi32>
      %convert_element_type3A_115 = arith.sitofp %convert_element_type3A_114 : vector<256x4xi32> to vector<256x4xf32>
      %mul3A = arith.mulf %dot_general3A_107, %convert_element_type3A_115 : vector<256x4xf32>
      %neg3A_116 = arith.constant 0.000000e+00 : f32
      %neg3A_117 = vector.broadcast %neg3A_116 : f32 to vector<256x4xf32>
      %neg3A_118 = arith.subf %neg3A_117, %mul3A : vector<256x4xf32>
      %exp3A_119 = math.exp %neg3A_118 : vector<256x4xf32>
      %add3A_120 = arith.constant 1.000000e+00 : f32
      %add3A_121 = vector.broadcast %add3A_120 : f32 to vector<256x4xf32>
      %add3A_122 = arith.addf %add3A_121, %exp3A_119 : vector<256x4xf32>
      %div3A_123 = arith.constant 1.000000e+00 : f32
      %div3A_124 = vector.broadcast %div3A_123 : f32 to vector<256x4xf32>
      %div3A_125 = arith.divf %div3A_124, %add3A_122 : vector<256x4xf32>
      %log3A_126 = math.log %div3A_125 : vector<256x4xf32>
      %reduce_sum3A_127 = vector.shape_cast %log3A_126 : vector<256x4xf32> to vector<1x256x4xf32>
      %reduce_sum3A_128 = arith.constant dense<0.000000e+00> : vector<1xf32>
      %reduce_sum3A_129 = vector.multi_reduction <add>, %reduce_sum3A_127, %reduce_sum3A_128 [1, 2] : vector<1x256x4xf32> to vector<1xf32>
      %reduce_sum3A_130 = vector.shape_cast %reduce_sum3A_129 : vector<1xf32> to vector<1x1x1xf32>
      %reduce_sum3A_131 = vector.extract %reduce_sum3A_130[0, 0, 0] : f32 from vector<1x1x1xf32>
      %reshape3A = vector.broadcast %reduce_sum3A_131 : f32 to vector<1x1xf32>
      %swap3A_132 = arith.constant 0 : index
      %swap3A_133 = arith.constant 0 : index
      %swap3A_134 = vector.load %arg5[%swap3A_132, %swap3A_133] : memref<1x1xf32, #tpu.memory_space<vmem>>, vector<1x1xf32>
      tpu.vector_store %arg5[%swap3A_132, %swap3A_133], %reshape3A {strides = array<i32>} : memref<1x1xf32, #tpu.memory_space<vmem>>, vector<1x1xf32>,
    } else {
    }
    %get3A = arith.constant 0 : index
    %get3A_2 = arith.constant 0 : index
    %get3A_3 = vector.load %arg4[%get3A, %get3A_2] : memref<256x300xi32, #tpu.memory_space<vmem>>, vector<256x300xi32>
    %convert_element_type3A_4 = arith.sitofp %get3A_3 : vector<256x300xi32> to vector<256x300xbf16>
    %get3A_5 = arith.constant 0 : index
    %get3A_6 = arith.constant 0 : index
    %get3A_7 = vector.load %arg6[%get3A_5, %get3A_6] : memref<256x300xbf16, #tpu.memory_space<vmem>>, vector<256x300xbf16>
    %dot_general3A = arith.constant dense<0.000000e+00> : vector<256x256xf32>
    %dot_general3A_8 = tpu.matmul %get3A_7, %convert_element_type3A_4, %dot_general3A {dimension_numbers = #tpu.dot_dimension_numbers<[1], [1], [0], [0], [0, 0, 1, 0], [], []>, transpose_lhs_hint = false} : vector<256x300xbf16>, vector<256x300xbf16>, vector<256x256xf32> -> vector<256x256xf32>
    %neg3A = arith.constant 0.000000e+00 : f32
    %neg3A_9 = vector.broadcast %neg3A : f32 to vector<256x256xf32>
    %neg3A_10 = arith.subf %neg3A_9, %dot_general3A_8 : vector<256x256xf32>
    %neg3A_11 = arith.constant 0.000000e+00 : f32
    %neg3A_12 = vector.broadcast %neg3A_11 : f32 to vector<256x256xf32>
    %neg3A_13 = arith.subf %neg3A_12, %neg3A_10 : vector<256x256xf32>
    %exp3A = math.exp %neg3A_13 : vector<256x256xf32>
    %add3A = arith.constant 1.000000e+00 : f32
    %add3A_14 = vector.broadcast %add3A : f32 to vector<256x256xf32>
    %add3A_15 = arith.addf %add3A_14, %exp3A : vector<256x256xf32>
    %div3A = arith.constant 1.000000e+00 : f32
    %div3A_16 = vector.broadcast %div3A : f32 to vector<256x256xf32>
    %div3A_17 = arith.divf %div3A_16, %add3A_15 : vector<256x256xf32>
    %get3A_18 = arith.constant 0 : index
    %get3A_19 = arith.constant 0 : index
    %get3A_20 = vector.load %arg5[%get3A_18, %get3A_19] : memref<1x1xf32, #tpu.memory_space<vmem>>, vector<1x1xf32>
    %add3A_21 = arith.constant 1.000000e-32 : f32
    %add3A_22 = vector.broadcast %add3A_21 : f32 to vector<256x256xf32>
    %add3A_23 = arith.addf %div3A_17, %add3A_22 : vector<256x256xf32>
    %log3A = math.log %add3A_23 : vector<256x256xf32>
    %reduce_sum3A = vector.shape_cast %log3A : vector<256x256xf32> to vector<1x256x256xf32>
    %reduce_sum3A_24 = arith.constant dense<0.000000e+00> : vector<1xf32>
    %reduce_sum3A_25 = vector.multi_reduction <add>, %reduce_sum3A, %reduce_sum3A_24 [1, 2] : vector<1x256x256xf32> to vector<1xf32>
    %reduce_sum3A_26 = vector.shape_cast %reduce_sum3A_25 : vector<1xf32> to vector<1x1x1xf32>
    %reduce_sum3A_27 = vector.extract %reduce_sum3A_26[0, 0, 0] : f32 from vector<1x1x1xf32>
    %add3A_28 = vector.broadcast %reduce_sum3A_27 : f32 to vector<1x1xf32>
    %add3A_29 = arith.addf %get3A_20, %add3A_28 : vector<1x1xf32>
    %swap3A = arith.constant 0 : index
    %swap3A_30 = arith.constant 0 : index
    %swap3A_31 = vector.load %arg5[%swap3A, %swap3A_30] : memref<1x1xf32, #tpu.memory_space<vmem>>, vector<1x1xf32>
    tpu.vector_store %arg5[%swap3A, %swap3A_30], %add3A_29 {strides = array<i32>} : memref<1x1xf32, #tpu.memory_space<vmem>>, vector<1x1xf32>,
    %eq3A_32 = arith.constant 3 : i32
    %eq3A_33 = arith.cmpi eq, %arg0, %eq3A_32 : i32
    %convert_element_type3A_34 = arith.extui %eq3A_33 : i1 to i32
    %cond3A_35 = arith.constant 0 : i32
    %cond3A_36 = arith.cmpi ne, %convert_element_type3A_34, %cond3A_35 : i32
    scf.if %cond3A_36 {
      %get3A_37 = arith.constant 0 : index
      %get3A_38 = arith.constant 0 : index
      %get3A_39 = vector.load %arg5[%get3A_37, %get3A_38] : memref<1x1xf32, #tpu.memory_space<vmem>>, vector<1x1xf32>
      %mul3A = arith.constant -3.906250e-03 : f32
      %mul3A_40 = vector.broadcast %mul3A : f32 to vector<1x1xf32>
      %mul3A_41 = arith.mulf %get3A_39, %mul3A_40 : vector<1x1xf32>
      %swap3A_42 = arith.constant 0 : index
      %swap3A_43 = arith.constant 0 : index
      %swap3A_44 = vector.load %arg5[%swap3A_42, %swap3A_43] : memref<1x1xf32, #tpu.memory_space<vmem>>, vector<1x1xf32>
      tpu.vector_store %arg5[%swap3A_42, %swap3A_43], %mul3A_41 {strides = array<i32>} : memref<1x1xf32, #tpu.memory_space<vmem>>, vector<1x1xf32>,
    } else {
    }
    return
  }
  func.func @transform_0(%arg0: i32) -> (i32, i32) {
    %c0_i32 = arith.constant 0 : i32
    %c0_i32_0 = arith.constant 0 : i32
    %c0_i32_1 = arith.constant 0 : i32
    return %c0_i32, %c0_i32_0 : i32, i32
  }
  func.func @transform_1(%arg0: i32) -> (i32, i32) {
    %c0_i32 = arith.constant 0 : i32
    %c0_i32_0 = arith.constant 0 : i32
    %c0_i32_1 = arith.constant 0 : i32
    return %c0_i32, %c0_i32_0 : i32, i32
  }
  func.func @transform_2(%arg0: i32) -> (i32, i32) {
    %c0_i32 = arith.constant 0 : i32
    %c0_i32_0 = arith.constant 0 : i32
    %c0_i32_1 = arith.constant 0 : i32
    return %c0_i32, %c0_i32_0 : i32, i32
  }
  func.func @transform_3(%arg0: i32) -> (i32, i32) {
    %c0_i32 = arith.constant 0 : i32
    %c0_i32_0 = arith.constant 0 : i32
    return %arg0, %c0_i32 : i32, i32
  }
  func.func @transform_4(%arg0: i32) -> (i32, i32) {
    %c0_i32 = arith.constant 0 : i32
    %c0_i32_0 = arith.constant 0 : i32
    %c0_i32_1 = arith.constant 0 : i32
    return %c0_i32, %c0_i32_0 : i32, i32
  }
}

</mosaic_0001>

<sc_bundles>
// kernel: kernel.5.cloned.1.call-start
scs
__scs_entry_jumppad:
0x0: {  	(pc) =	sbr.rel $0x88, $3  }
0x1: {  	(tag) =	ssettag $0x0;
	lr =	simm.s32 $0x1  }
0x2: {  	[smem:$0x3F9A] =	sst lr;
	_ =	strace $0xD0000000  }
0x3: {  	_ = 	snop  }
0x4: {  	_ = 	snop  }
0x5: {  	_ = 	snop  }
0x6: {  	_ = 	snop  }
0x7: {  	_ = 	snop  }
__scs_overlays_trampoline_lowered:
0x8: {  	[smem:$0x3FA9] =	sst s0  }
0x9: {  	[smem:$0x3FAA] =	sst s1  }
0xa: {  	[smem:$0x3FAB] =	sst s2  }
0xb: {  	[smem:$0x3FAC] =	sst s3  }
0xc: {  	[smem:$0x3FAD] =	sst s4  }
0xd: {  	[smem:$0x3FAE] =	sst s5  }
0xe: {  	[smem:$0x3FAF] =	sst s6  }
0xf: {  	[smem:$0x3FB0] =	sst s7  }
0x10: {  	[smem:$0x3FB1] =	sst s8  }
0x11: {  	[smem:$0x3FB2] =	sst s9;
	s0 =	simm.s32 @!p0 $0x0  }
0x12: {  	s1 =	sld [smem:$0x3F98];
	s0 =	simm.s32 @p0 $0x1  }
0x13: {  	[smem:$0x3FB3] =	sst s0;
	s0 =	simm.s32 @!p1 $0x0  }
0x14: {  	s2 =	sld [smem:$0x3F97];
	s0 =	simm.s32 @p1 $0x1  }
0x15: {  	[smem:$0x3FB4] =	sst s0;
	s0 =	simm.s32 @!p2 $0x0  }
0x16: {  	s3 =	sld [smem:$0x3FDB];
	s0 =	simm.s32 @p2 $0x1  }
0x17: {  	s4 =	simm.s32 $0x1BF5;
	[smem:$0x3FB6] =	sst s0  }
0x18: {  	s0 =	sld [smem:$0x3F99];
	_ =	swait.ge [sflag:s4], $0x0  }
0x19: {  	s7 =	sld [smem:$0x3F9A]  }
0x1a: {  	s8 =	sadd.s32 $0xFFFFE003, lr  }
0x1b: {  	s9 =	sadd.s32 $0xFFFFFEF7, lr;
	s5 =	simm.s32 $0xFFFFFFFF;
	p2 =	slt.u32 s8, $0xFFFFF086  }
0x1c: {  	p1 =	slt.u32 s9, $0xF7A;
	s5 =	simm.s32 @!p2 $0x0  }
0x1d: {  	s5 =	simm.s32 @p1 $0x1;
	p0 =	seq.s32 s7, s2  }
0x1e: {  	s7 =	smul.u32 @!p0 $0xF7A, s2;
	p2 =	seq.s32 @!p0 s5, $0x0  }
0x1f: {  	s9 =	smul.u32 $0xF7A, s1;
	s8 =	simm.s32 @!p0 $0x1BF5;
	p2 =	por !p2, p0  }
0x20: {  	[sflag:s8] =	ssyncset.s32 @!p0 $0xFFFFF086;
	s6 =	sadd.s32 @!p0 s3, s7;
	s7 =	simm.s32 @!p0 $0x108  }
0x21: {  	s3 =	sadd.s32 s3, s9;
	s6 =	sadd.s32 @!p0 $0x88, s6;
	s7 =	simm.s32 @p2 $0x1082  }
0x22: {  	[simem:s7], [sflag:s8] =	dma.local @!p0 [hbm:s6], $0xF7A  }
0x23: {  	s9 =	sor.u32 $0xD0000000, s2;
	s6 =	simm.s32 $0x108;
	_ =	swait.ge @!p0 [sflag:s8], $0x0  }
0x24: {  	s3 =	sadd.s32 $0x88, s3;
	s6 =	simm.s32 @!p1 $0x1082;
	[sflag:s4] =	ssyncset.s32 $0xFFFFF086  }
0x25: {  	[simem:s6], [sflag:s4] =	dma.local [hbm:s3], $0xF7A  }
0x26: {  	[smem:$0x3F9A] =	sst s1;
	(tag) =	ssettag s2;
	_ =	strace s9  }
0x27: {  	s1 =	sld [smem:$0x3FAA]  }
0x28: {  	s2 =	sld [smem:$0x3FAB]  }
0x29: {  	s4 =	sld [smem:$0x3FAD]  }
0x2a: {  	p0 =	seq.s32 s5, $0x0;
	s5 =	sld [smem:$0x3FAE]  }
0x2b: {  	s6 =	sld [smem:$0x3FAF]  }
0x2c: {  	s7 =	sld [smem:$0x3FB0]  }
0x2d: {  	s3 =	simm.s32 $0x108;
	s8 =	sld [smem:$0x3FB1]  }
0x2e: {  	s3 =	simm.s32 @!p0 $0x1082;
	s9 =	sld [smem:$0x3FB2]  }
0x2f: {  	lr =	sadd.s32 s0, s3;
	s0 =	sld [smem:$0x3FA9]  }
0x30: {  	s3 =	sld [smem:$0x3FAC]  }
0x31: {  	[smem:$0x3FB5] =	sst s10  }
0x32: {  	s10 =	sld [smem:$0x3FB3];
	_ =	sdelay $0x3  }
0x33: {  	p0 =	seq.s32 s10, $0x1;
	s10 =	sld [smem:$0x3FB5];
	_ =	sdelay $0x3  }
0x34: {  	[smem:$0x3FB5] =	sst s10  }
0x35: {  	s10 =	sld [smem:$0x3FB4];
	_ =	sdelay $0x3  }
0x36: {  	p1 =	seq.s32 s10, $0x1;
	s10 =	sld [smem:$0x3FB5];
	_ =	sdelay $0x3  }
0x37: {  	[smem:$0x3FB5] =	sst s10  }
0x38: {  	s10 =	sld [smem:$0x3FB6]  }
0x39: {  	_ = 	snop;
	(pc) =	sbr.ind lr, $3  }
0x3a: {  	_ = 	snop  }
0x3b: {  	_ = 	snop  }
0x3c: {  	p2 =	seq.s32 s10, $0x1;
	s10 =	sld [smem:$0x3FB5]  }
0x3d: {  	_ =	shalt  }
0x3e: {  	_ =	shalt  }
0x3f: {  	_ =	shalt  }
0x40: {  	_ =	shalt  }
0x41: {  	_ =	shalt  }
0x42: {  	_ =	shalt  }
0x43: {  	_ =	shalt  }
0x44: {  	_ =	shalt  }
0x45: {  	_ =	shalt  }
0x46: {  	_ =	shalt  }
0x47: {  	_ =	shalt  }
0x48: {  	_ =	shalt  }
0x49: {  	_ =	shalt  }
0x4a: {  	_ =	shalt  }
0x4b: {  	_ =	shalt  }
0x4c: {  	_ =	shalt  }
0x4d: {  	_ =	shalt  }
0x4e: {  	_ =	shalt  }
0x4f: {  	_ =	shalt  }
0x50: {  	_ =	shalt  }
0x51: {  	_ =	shalt  }
0x52: {  	_ =	shalt  }
0x53: {  	_ =	shalt  }
0x54: {  	_ =	shalt  }
0x55: {  	_ =	shalt  }
0x56: {  	_ =	shalt  }
0x57: {  	_ =	shalt  }
0x58: {  	_ =	shalt  }
0x59: {  	_ =	shalt  }
0x5a: {  	_ =	shalt  }
0x5b: {  	_ =	shalt  }
0x5c: {  	_ =	shalt  }
0x5d: {  	_ =	shalt  }
0x5e: {  	_ =	shalt  }
0x5f: {  	_ =	shalt  }
0x60: {  	_ =	shalt  }
0x61: {  	_ =	shalt  }
0x62: {  	_ =	shalt  }
0x63: {  	_ =	shalt  }
0x64: {  	_ =	shalt  }
0x65: {  	_ =	shalt  }
0x66: {  	_ =	shalt  }
0x67: {  	_ =	shalt  }
0x68: {  	_ =	shalt  }
0x69: {  	_ =	shalt  }
0x6a: {  	_ =	shalt  }
0x6b: {  	_ =	shalt  }
0x6c: {  	_ =	shalt  }
0x6d: {  	_ =	shalt  }
0x6e: {  	_ =	shalt  }
0x6f: {  	_ =	shalt  }
0x70: {  	_ =	shalt  }
0x71: {  	_ =	shalt  }
0x72: {  	_ =	shalt  }
0x73: {  	_ =	shalt  }
0x74: {  	_ =	shalt  }
0x75: {  	_ =	shalt  }
0x76: {  	_ =	shalt  }
0x77: {  	_ =	shalt  }
0x78: {  	_ =	shalt  }
0x79: {  	_ =	shalt  }
0x7a: {  	_ =	shalt  }
0x7b: {  	_ =	shalt  }
0x7c: {  	_ =	shalt  }
0x7d: {  	_ =	shalt  }
0x7e: {  	_ =	shalt  }
0x7f: {  	_ =	shalt  }
0x80: {  	_ =	shalt  }
0x81: {  	_ =	shalt  }
0x82: {  	_ =	shalt  }
0x83: {  	_ =	shalt  }
0x84: {  	_ =	shalt  }
0x85: {  	_ =	shalt  }
0x86: {  	_ =	shalt  }
0x87: {  	_ =	shalt  }
.Lfunc_end0:
.L_simem_size_0:
called_computation_lowered:
.L_overlay_start_0:
0x88: {  	s2 =	sld [smem:$0x3FD9]  }
0x89: {  	s3 =	sld [smem:$0x3FFE];
	_ =	sdelay $0x1  }
0x8a: {  	s1 =	srdreg.scid  }
0x8b: {  	s0 =	sand.u32 $0x1, s1  }
0x8c: {  	s16 =	sshll.u32 s0, $0xA;
	s2 =	sadd.s32 s3, s2  }
0x8d: {  	s2 =	sadd.s32 s2, s16  }
0x8e: {  	[smem:$0x3FC1] =	sst s2  }
0x8f: {  	_ = 	snop  }
0x90: {  	(tm) =	ssettm $0x1  }
0x91: {  	s17 =	sld [smem:$0x3FFB];
	_ =	sdelay $0x3  }
0x92: {  	_ =	strace s17  }
0x93: {  	s2 =	sld [smem:$0x3FFC];
	_ =	sdelay $0x3  }
0x94: {  	_ =	strace s2  }
0x95: {  	s2 =	sld [smem:$0x3FFD];
	_ =	sdelay $0x3  }
0x96: {  	_ =	strace s2  }
0x97: {  	_ =	strace $0x8FFFFFFF  }
0x98: {  	s18 =	sld [smem:$0x3FDB];
	_ =	sdelay $0x1  }
0x99: {  	s19 =	simm.s32 $_scs_section_size  }
0x9a: {  	s4 =	simm.s32 $_size__tile_overlayer_lowered;
	s5 =	simm.s32 $_tile_overlayer_lowered  }
0x9b: {  	s22 =	simm.s32 $0x1BFF;
	s21 =	sshll.u32 s5, $0x1;
	s2 =	sadd.s32 s19, s18  }
0x9c: {  	s6 =	simm.s32 $0x0;
	s20 =	sshll.u32 s4, $0x1;
	s4 =	sadd.s32 s21, s2  }
0x9d: {  	[timem:s6], [sflag:s22] =	dma.local [hbm:s4], s20  }
0x9e: {  	_ =	swait.ge [sflag:s22], s20  }
0x9f: {  	s3 =	ssub.s32 $0x0, s20;
	[sflag:s22] =	ssyncset.done $0x0  }
0xa0: {  	[sflag:s22] =	ssyncadd.s32 s3;
	_ =	sdelay $0x1  }
0xa1: {  	s23 =	simm.s32 $0x1B8B  }
0xa2: {  	_ =	swait.ge [sflag:s23], $0x1  }
0xa3: {  	[sflag:s23] =	ssyncset.done $0x0  }
0xa4: {  	s25 =	simm.s32 $0x1B8E;
	s24 =	sld [smem:$0x3FFE];
	[sflag:s23] =	ssyncadd.s32 $0xFFFFFFFF  }
0xa5: {  	s26 =	simm.s32 $execute0_lowered;
	[smem:$0x3FD2] =	sst s25  }
0xa6: {  	s4 =	sshll.u32 s26, $0x1;
	_ =	strace $0x80000046;
	[dreg:$0x1] =	wrdreg $0xFFFFFFFF  }
0xa7: {  	s28 =	simm.s32 $_size_execute0_lowered;
	s2 =	sadd.s32 s2, s4;
	[dreg:$0x0] =	wrdreg $0x0  }
0xa8: {  	s4 =	sshll.u32 s28, $0x1;
	[dreg:$0x2] =	wrdreg s2  }
0xa9: {  	[dreg:$0x3] =	wrdreg s4  }
0xaa: {  	[dreg:$0x4] =	wrdreg $0xC0  }
0xab: {  	_ =	task [dreg:s6], $0x5FFFF  }
0xac: {  	[dreg:$0x1] =	wrdreg $0xFFFFFFFF  }
0xad: {  	[dreg:$0x0] =	wrdreg $0x60  }
0xae: {  	[dreg:$0x2] =	wrdreg s24  }
0xaf: {  	[dreg:$0x3] =	wrdreg $0x9  }
0xb0: {  	_ =	task.clear_ibuf [dreg:s6], $0x4FFFF;
	_ =	strace $0x90000046  }
0xb1: {  	s29 =	simm.s32 $0x9;
	_ =	strace $0x80000048  }
0xb2: {  	_ =	swait.ge [sflag:s29], $0x1  }
0xb3: {  	[sflag:s29] =	ssyncadd.s32 $0xFFFFFFFF  }
0xb4: {  	_ =	strace $0x90000048  }
0xb5: {  	_ =	sfence  }
0xb6: {  	s30 =	sld [smem:$0x0];
	_ =	sdelay $0x2  }
0xb7: {  	s31 =	sshll.u32 s1, $0xD;
	s1 =	sshrl.u32 s1, $0x2  }
0xb8: {  	s3 =	sand.u32 $0x4000, s31;
	s1 =	sadd.s32 s1, s30  }
0xb9: {  	s0 =	sor.u32 s3, s0;
	s1 =	sshll.u32 s1, $0x11  }
0xba: {  	s0 =	sor.u32 s1, s0  }
0xbb: {  	s0 =	sadd.s32 $0x8F2B, s0  }
0xbc: {  	[sflag:s0] =	ssyncadd.remote.s32 $0x1  }
0xbd: {  	_ =	sfence.sel $0xFFFF  }
0xbe: {  	[dreg:$0x0] =	wrdreg $0xFFFFFFFF;
	(pc) =	sbr.abs _section_cstart, $3  }
0xbf: {  	[dreg:$0x1] =	wrdreg $0xFFFFFFFF  }
0xc0: {  	_ =	task.clear_ibuf [dreg:s6], $0x2FFFF;
	_ =	strace $0x9FFFFFFF  }
0xc1: {  	(tm) =	ssettm $0x7FFFFFFF  }
tec
execute0_lowered:
.L_overlay_start_1:
0x0: {  	(tag) =	ssettag $0x1  }
0x1: {  	s1 =	srdreg.scid  }
0x2: {  	s0 =	stileid.u32;
	s4 =	sand.u32 $0x1, s1  }
0x3: {  	s3 =	rddreg [dreg:$0x0];
	s9 =	sshll.u32 s0, $0x3;
	s2 =	sshll.u32 s4, $0x2  }
0x4: {  	s1 =	rddreg [dreg:$0x1];
	s5 =	sor.u32 s2, s9;
	s2 =	simm.s32 $0x0  }
0x5: {  	s11 =	simm.s32 $0x480;
	[smem:$0x7FF] =	sst s2  }
0x6: {  	s12 =	simm.s32 $0x880;
	_ =	strace $0x80000047;
	[dreg:$0x4] =	wrdreg s11  }
0x7: {  	s13 =	simm.s32 $0x100;
	[dreg:$0x5] =	wrdreg s12  }
0x8: {  	s14 =	simm.s32 $0x500;
	[dreg:$0x6] =	wrdreg s13  }
0x9: {  	s15 =	simm.s32 $0x900;
	[dreg:$0x7] =	wrdreg s14  }
0xa: {  	s16 =	simm.s32 $0x180;
	[dreg:$0x8] =	wrdreg s15  }
0xb: {  	s17 =	simm.s32 $0x580;
	[dreg:$0x9] =	wrdreg s16  }
0xc: {  	s18 =	simm.s32 $0x980;
	[dreg:$0xa] =	wrdreg s17  }
0xd: {  	s19 =	simm.s32 $0x200;
	[dreg:$0xb] =	wrdreg s18  }
0xe: {  	s20 =	simm.s32 $0x600;
	[dreg:$0xc] =	wrdreg s19  }
0xf: {  	s21 =	simm.s32 $0xA00;
	[dreg:$0xd] =	wrdreg s20  }
0x10: {  	s22 =	simm.s32 $0x280;
	[dreg:$0xe] =	wrdreg s21  }
0x11: {  	s23 =	simm.s32 $0x680;
	[dreg:$0xf] =	wrdreg s22  }
0x12: {  	s24 =	simm.s32 $0xA80;
	[dreg:$0x10] =	wrdreg s23  }
0x13: {  	s25 =	simm.s32 $0x300;
	[dreg:$0x11] =	wrdreg s24  }
0x14: {  	s26 =	simm.s32 $0x700;
	[dreg:$0x12] =	wrdreg s25  }
0x15: {  	s28 =	simm.s32 $0xB00;
	[dreg:$0x13] =	wrdreg s26  }
0x16: {  	s29 =	simm.s32 $0x380;
	[dreg:$0x14] =	wrdreg s28  }
0x17: {  	s30 =	simm.s32 $0x780;
	[dreg:$0x15] =	wrdreg s29  }
0x18: {  	s31 =	simm.s32 $0xB80;
	[dreg:$0x16] =	wrdreg s30  }
0x19: {  	s7 =	simm.s32 $0x800;
	[dreg:$0x17] =	wrdreg s31  }
0x1a: {  	s8 =	simm.s32 $0xC00;
	s9 =	simm.s32 $0xC80;
	[dreg:$0x19] =	wrdreg s7  }
0x1b: {  	s6 =	smul.u32 $0x180, s5;
	s5 =	sadd.s32 s5, s3;
	[dreg:$0x1a] =	wrdreg s8  }
0x1c: {  	s5 =	sadd.s32 $0x1400, s5;
	[dreg:$0x1b] =	wrdreg s9  }
0x1d: {  	s11 =	simm.s32 $0x1480;
	[dreg:$0x2] =	wrdreg s5  }
0x1e: {  	s12 =	simm.s32 $0xD00;
	[dreg:$0x1d] =	wrdreg s11  }
0x1f: {  	s13 =	simm.s32 $0x1100;
	[dreg:$0x1e] =	wrdreg s12  }
0x20: {  	s14 =	simm.s32 $0x1500;
	[dreg:$0x1f] =	wrdreg s13  }
0x21: {  	s15 =	simm.s32 $0xD80;
	[smem:$0x7BB] =	sst s14  }
0x22: {  	s16 =	simm.s32 $0x1180;
	[smem:$0x7BC] =	sst s15  }
0x23: {  	s17 =	simm.s32 $0x1580;
	[smem:$0x7BD] =	sst s16  }
0x24: {  	s18 =	simm.s32 $0xE00;
	[smem:$0x7BE] =	sst s17  }
0x25: {  	s19 =	simm.s32 $0x1200;
	[smem:$0x7BF] =	sst s18  }
0x26: {  	s20 =	simm.s32 $0x1600;
	[smem:$0x7C0] =	sst s19  }
0x27: {  	s21 =	simm.s32 $0xE80;
	[smem:$0x7C1] =	sst s20  }
0x28: {  	s22 =	simm.s32 $0x1280;
	[smem:$0x7C2] =	sst s21  }
0x29: {  	s23 =	simm.s32 $0x1680;
	[smem:$0x7C3] =	sst s22  }
0x2a: {  	s24 =	simm.s32 $0xF00;
	[smem:$0x7C4] =	sst s23  }
0x2b: {  	s25 =	simm.s32 $0x1300;
	[smem:$0x7C5] =	sst s24  }
0x2c: {  	s26 =	simm.s32 $0x1700;
	[smem:$0x7C6] =	sst s25  }
0x2d: {  	s28 =	simm.s32 $0xF80;
	[smem:$0x7C7] =	sst s26  }
0x2e: {  	s29 =	simm.s32 $0x1380;
	[smem:$0x7C8] =	sst s28  }
0x2f: {  	s30 =	simm.s32 $0x1780;
	[smem:$0x7C9] =	sst s29  }
0x30: {  	s31 =	simm.s32 $0x1000;
	[smem:$0x7CA] =	sst s30  }
0x31: {  	s7 =	simm.s32 $0x1800;
	[smem:$0x7CB] =	sst s31  }
0x32: {  	s8 =	simm.s32 $0x1880;
	[smem:$0x7CD] =	sst s7  }
0x33: {  	s9 =	simm.s32 $0x1C80;
	[smem:$0x7CE] =	sst s8  }
0x34: {  	[smem:$0x7CF] =	sst s9;
	s11 =	simm.s32 $0x1900  }
0x35: {  	s12 =	simm.s32 $0x1D00;
	[smem:$0x7D1] =	sst s11  }
0x36: {  	s13 =	simm.s32 $0x2100;
	[smem:$0x7D2] =	sst s12  }
0x37: {  	s14 =	simm.s32 $0x1980;
	[smem:$0x7D3] =	sst s13  }
0x38: {  	s15 =	simm.s32 $0x1D80;
	[smem:$0x7D4] =	sst s14  }
0x39: {  	s16 =	simm.s32 $0x2180;
	[smem:$0x7D5] =	sst s15  }
0x3a: {  	s17 =	simm.s32 $0x1A00;
	[smem:$0x7D6] =	sst s16  }
0x3b: {  	s18 =	simm.s32 $0x1E00;
	[smem:$0x7D7] =	sst s17  }
0x3c: {  	s19 =	simm.s32 $0x2200;
	[smem:$0x7D8] =	sst s18  }
0x3d: {  	s20 =	simm.s32 $0x1A80;
	[smem:$0x7D9] =	sst s19  }
0x3e: {  	s21 =	simm.s32 $0x1E80;
	[smem:$0x7DA] =	sst s20  }
0x3f: {  	s22 =	simm.s32 $0x2280;
	[smem:$0x7DB] =	sst s21  }
0x40: {  	s23 =	simm.s32 $0x1B00;
	[smem:$0x7DC] =	sst s22  }
0x41: {  	s24 =	simm.s32 $0x1F00;
	[smem:$0x7DD] =	sst s23  }
0x42: {  	s25 =	simm.s32 $0x2300;
	[smem:$0x7DE] =	sst s24  }
0x43: {  	s26 =	simm.s32 $0x1B80;
	[smem:$0x7DF] =	sst s25  }
0x44: {  	s28 =	simm.s32 $0x1F80;
	[smem:$0x7E0] =	sst s26  }
0x45: {  	s29 =	simm.s32 $0x2380;
	[smem:$0x7E1] =	sst s28  }
0x46: {  	s30 =	simm.s32 $0x1C00;
	[smem:$0x7E2] =	sst s29  }
0x47: {  	s31 =	simm.s32 $0x2000;
	[smem:$0x7E3] =	sst s30  }
0x48: {  	s7 =	simm.s32 $0x2480;
	[smem:$0x7E4] =	sst s31  }
0x49: {  	s8 =	simm.s32 $0x2880;
	[smem:$0x7E6] =	sst s7  }
0x4a: {  	s6 =	sadd.s32 s6, s3;
	s9 =	simm.s32 $0x2C80;
	[smem:$0x7E7] =	sst s8  }
0x4b: {  	s10 =	sadd.s32 $0x19000, s6;
	[smem:$0x7E8] =	sst s9  }
0x4c: {  	s6 =	simm.s32 $0x400;
	[dreg:$0x3] =	wrdreg s10  }
0x4d: {  	s11 =	simm.s32 $0x2900;
	[dreg:$0x18] =	wrdreg s6  }
0x4e: {  	s12 =	simm.s32 $0x2D00;
	[smem:$0x7EA] =	sst s11  }
0x4f: {  	s13 =	simm.s32 $0x2580;
	[smem:$0x7EB] =	sst s12  }
0x50: {  	s14 =	simm.s32 $0x2980;
	[smem:$0x7EC] =	sst s13  }
0x51: {  	s15 =	simm.s32 $0x2D80;
	[smem:$0x7ED] =	sst s14  }
0x52: {  	s16 =	simm.s32 $0x2600;
	[smem:$0x7EE] =	sst s15  }
0x53: {  	s17 =	simm.s32 $0x2A00;
	[smem:$0x7EF] =	sst s16  }
0x54: {  	s18 =	simm.s32 $0x2E00;
	[smem:$0x7F0] =	sst s17  }
0x55: {  	s19 =	simm.s32 $0x2680;
	[smem:$0x7F1] =	sst s18  }
0x56: {  	s20 =	simm.s32 $0x2A80;
	[smem:$0x7F2] =	sst s19  }
0x57: {  	s21 =	simm.s32 $0x2E80;
	[smem:$0x7F3] =	sst s20  }
0x58: {  	s22 =	simm.s32 $0x2700;
	[smem:$0x7F4] =	sst s21  }
0x59: {  	s23 =	simm.s32 $0x2B00;
	[smem:$0x7F5] =	sst s22  }
0x5a: {  	s24 =	simm.s32 $0x2F00;
	[smem:$0x7F6] =	sst s23  }
0x5b: {  	s25 =	simm.s32 $0x2780;
	[smem:$0x7F7] =	sst s24  }
0x5c: {  	s26 =	simm.s32 $0x2B80;
	[smem:$0x7F8] =	sst s25  }
0x5d: {  	s29 =	simm.s32 $0x2F80;
	[smem:$0x7F9] =	sst s26  }
0x5e: {  	s30 =	simm.s32 $0x2800;
	[smem:$0x7FA] =	sst s29  }
0x5f: {  	s31 =	simm.s32 $0x2C00;
	[smem:$0x7FB] =	sst s30  }
0x60: {  	s4 =	ssub.s32 $0x2, s4;
	s7 =	simm.s32 $0x3000;
	[smem:$0x7FC] =	sst s31  }
0x61: {  	s3 =	sadd.s32 $0x1600, s3;
	s10 =	simm.s32 $0x1080;
	[smem:$0x7FD] =	sst s7  }
0x62: {  	s5 =	simm.s32 $0x2;
	s6 =	simm.s32 $0x1400;
	[dreg:$0x1c] =	wrdreg s10  }
0x63: {  	s28 =	sshrl.u32 s4, $0x1;
	[smem:$0x7CC] =	sst s6;
	s10 =	simm.s32 $0x2080  }
0x64: {  	s4 =	ssub.s32 s4, s28;
	s6 =	simm.s32 $0x2400;
	[smem:$0x7D0] =	sst s10  }
0x65: {  	s7 =	simm.s32 $0x1;
	[smem:$0x7E5] =	sst s6;
	s10 =	simm.s32 $0x2500  }
0x66: {  	s4 =	smax.u32 s4, $0x1;
	s6 =	simm.s32 $0x80;
	[smem:$0x7E9] =	sst s10  }
.LBB2_1:
0x67: {  	s8 =	rddreg [dreg:$0x2]  }
0x68: {  	[tilespmem:s2], [sflag:$0x2] =	stream.linear.gather [hbm4b:s8+s2], $0x20, $0x38;
	[tilespmem:$0x3080] =	vst v63  }
0x69: {  	_ =	swait.ge [sflag:s5], $0x20  }
0x6a: {  	[sflag:s5] =	ssyncset.done $0x0  }
0x6b: {  	[sflag:s5] =	ssyncadd.s32 $0xFFFFFFE0  }
0x6c: {  	v1 =	vld [tilespmem:$0x0];
	_ =	sdelay $0x4  }
0x6d: {  	(v2sf) =	vpush v1, $0x0;
	_ =	sdelay $0x7  }
0x6e: {  	(v2sf) =	vpush v1, $0x1;
	_ =	sdelay $0x6  }
0x6f: {  	s22 =	spop (v2sf)  }
0x70: {  	s9 =	sshrl.u32 s22, $0x3  }
0x71: {  	s8 =	sshll.u32 s22, $0x7;
	s9 =	smul.u32 $0xC00, s9  }
0x72: {  	(v2sf) =	vpush v1, $0x2;
	s8 =	sand.u32 $0x380, s8  }
0x73: {  	s8 =	sor.u32 s8, s9  }
0x74: {  	s8 =	sshrl.u32 s8, $0x3  }
0x75: {  	s8 =	sadd.s32 s3, s8  }
0x76: {  	v0 =	vld [tilespmem:$0x10];
	[tilespmem:s6], [sflag:$0x1] =	stream.linear.gather [hbm4b:s8+s2], $0x80, $0x38  }
0x77: {  	s23 =	rddreg [dreg:$0x4];
	s24 =	spop (v2sf);
	s10 =	sadd.s32 $0x80, s8  }
0x78: {  	[tilespmem:s23], [sflag:$0x1] =	stream.linear.gather [hbm4b:s10+s2], $0x80, $0x38;
	[tilespmem:$0x3080] =	vst v63  }
0x79: {  	s11 =	rddreg [dreg:$0x5];
	s25 =	sshrl.u32 s24, $0x3;
	s8 =	sadd.s32 $0x100, s8  }
0x7a: {  	[tilespmem:s11], [sflag:$0x1] =	stream.linear.gather [hbm4b:s8+s2], $0x80, $0x38;
	[tilespmem:$0x3080] =	vst v63  }
0x7b: {  	s9 =	smul.u32 $0xC00, s25;
	s8 =	sshll.u32 s24, $0x7  }
0x7c: {  	(v2sf) =	vpush v1, $0x3;
	s8 =	sand.u32 $0x380, s8  }
0x7d: {  	s8 =	sor.u32 s8, s9  }
0x7e: {  	s8 =	sshrl.u32 s8, $0x3  }
0x7f: {  	s26 =	rddreg [dreg:$0x6];
	s8 =	sadd.s32 s3, s8  }
0x80: {  	[tilespmem:s26], [sflag:$0x1] =	stream.linear.gather [hbm4b:s8+s2], $0x80, $0x38;
	[tilespmem:$0x3080] =	vst v63  }
0x81: {  	s28 =	rddreg [dreg:$0x7];
	s31 =	spop (v2sf);
	s29 =	sadd.s32 $0x80, s8  }
0x82: {  	[tilespmem:s28], [sflag:$0x1] =	stream.linear.gather [hbm4b:s29+s2], $0x80, $0x38;
	[tilespmem:$0x3080] =	vst v63  }
0x83: {  	s30 =	rddreg [dreg:$0x8];
	s8 =	sadd.s32 $0x100, s8;
	s10 =	sshrl.u32 s31, $0x3  }
0x84: {  	[tilespmem:s30], [sflag:$0x1] =	stream.linear.gather [hbm4b:s8+s2], $0x80, $0x38;
	[tilespmem:$0x3080] =	vst v63  }
0x85: {  	s9 =	smul.u32 $0xC00, s10;
	s8 =	sshll.u32 s31, $0x7  }
0x86: {  	(v2sf) =	vpush v1, $0x4;
	s8 =	sand.u32 $0x380, s8  }
0x87: {  	s8 =	sor.u32 s8, s9  }
0x88: {  	s8 =	sshrl.u32 s8, $0x3  }
0x89: {  	s11 =	rddreg [dreg:$0x9];
	s8 =	sadd.s32 s3, s8  }
0x8a: {  	[tilespmem:s11], [sflag:$0x1] =	stream.linear.gather [hbm4b:s8+s2], $0x80, $0x38;
	[tilespmem:$0x3080] =	vst v63  }
0x8b: {  	s12 =	rddreg [dreg:$0xa];
	s15 =	spop (v2sf);
	s13 =	sadd.s32 $0x80, s8  }
0x8c: {  	[tilespmem:s12], [sflag:$0x1] =	stream.linear.gather [hbm4b:s13+s2], $0x80, $0x38;
	[tilespmem:$0x3080] =	vst v63  }
0x8d: {  	s14 =	rddreg [dreg:$0xb];
	s16 =	sshrl.u32 s15, $0x3;
	s8 =	sadd.s32 $0x100, s8  }
0x8e: {  	[tilespmem:s14], [sflag:$0x1] =	stream.linear.gather [hbm4b:s8+s2], $0x80, $0x38;
	[tilespmem:$0x3080] =	vst v63  }
0x8f: {  	s9 =	smul.u32 $0xC00, s16;
	s8 =	sshll.u32 s15, $0x7  }
0x90: {  	(v2sf) =	vpush v1, $0x5;
	s8 =	sand.u32 $0x380, s8  }
0x91: {  	s8 =	sor.u32 s8, s9  }
0x92: {  	s8 =	sshrl.u32 s8, $0x3  }
0x93: {  	s17 =	rddreg [dreg:$0xc];
	s8 =	sadd.s32 s3, s8  }
0x94: {  	[tilespmem:s17], [sflag:$0x1] =	stream.linear.gather [hbm4b:s8+s2], $0x80, $0x38;
	[tilespmem:$0x3080] =	vst v63  }
0x95: {  	s18 =	rddreg [dreg:$0xd];
	s21 =	spop (v2sf);
	s19 =	sadd.s32 $0x80, s8  }
0x96: {  	[tilespmem:s18], [sflag:$0x1] =	stream.linear.gather [hbm4b:s19+s2], $0x80, $0x38;
	[tilespmem:$0x3080] =	vst v63  }
0x97: {  	s20 =	rddreg [dreg:$0xe];
	s22 =	sshrl.u32 s21, $0x3;
	s8 =	sadd.s32 $0x100, s8  }
0x98: {  	[tilespmem:s20], [sflag:$0x1] =	stream.linear.gather [hbm4b:s8+s2], $0x80, $0x38;
	[tilespmem:$0x3080] =	vst v63  }
0x99: {  	s9 =	smul.u32 $0xC00, s22;
	s8 =	sshll.u32 s21, $0x7  }
0x9a: {  	(v2sf) =	vpush v1, $0x6;
	s8 =	sand.u32 $0x380, s8  }
0x9b: {  	s8 =	sor.u32 s8, s9  }
0x9c: {  	s8 =	sshrl.u32 s8, $0x3  }
0x9d: {  	s23 =	rddreg [dreg:$0xf];
	s8 =	sadd.s32 s3, s8  }
0x9e: {  	[tilespmem:s23], [sflag:$0x1] =	stream.linear.gather [hbm4b:s8+s2], $0x80, $0x38;
	[tilespmem:$0x3080] =	vst v63  }
0x9f: {  	s24 =	rddreg [dreg:$0x10];
	s28 =	spop (v2sf);
	s25 =	sadd.s32 $0x80, s8  }
0xa0: {  	[tilespmem:s24], [sflag:$0x1] =	stream.linear.gather [hbm4b:s25+s2], $0x80, $0x38;
	[tilespmem:$0x3080] =	vst v63  }
0xa1: {  	s26 =	rddreg [dreg:$0x11];
	s29 =	sshrl.u32 s28, $0x3;
	s8 =	sadd.s32 $0x100, s8  }
0xa2: {  	[tilespmem:s26], [sflag:$0x1] =	stream.linear.gather [hbm4b:s8+s2], $0x80, $0x38;
	[tilespmem:$0x3080] =	vst v63  }
0xa3: {  	s9 =	smul.u32 $0xC00, s29;
	s8 =	sshll.u32 s28, $0x7  }
0xa4: {  	(v2sf) =	vpush v1, $0x7;
	s8 =	sand.u32 $0x380, s8  }
0xa5: {  	s8 =	sor.u32 s8, s9  }
0xa6: {  	s8 =	sshrl.u32 s8, $0x3  }
0xa7: {  	s30 =	rddreg [dreg:$0x12];
	s8 =	sadd.s32 s3, s8  }
0xa8: {  	[tilespmem:s30], [sflag:$0x1] =	stream.linear.gather [hbm4b:s8+s2], $0x80, $0x38;
	[tilespmem:$0x3080] =	vst v63  }
0xa9: {  	s31 =	rddreg [dreg:$0x13];
	s13 =	spop (v2sf);
	s11 =	sadd.s32 $0x80, s8  }
0xaa: {  	[tilespmem:s31], [sflag:$0x1] =	stream.linear.gather [hbm4b:s11+s2], $0x80, $0x38;
	[tilespmem:$0x3080] =	vst v63  }
0xab: {  	s12 =	rddreg [dreg:$0x14];
	s14 =	sshrl.u32 s13, $0x3;
	s8 =	sadd.s32 $0x100, s8  }
0xac: {  	[tilespmem:s12], [sflag:$0x1] =	stream.linear.gather [hbm4b:s8+s2], $0x80, $0x38;
	[tilespmem:$0x3080] =	vst v63  }
0xad: {  	s9 =	smul.u32 $0xC00, s14;
	s8 =	sshll.u32 s13, $0x7  }
0xae: {  	(v2sf) =	vpush v1, $0x8;
	s8 =	sand.u32 $0x380, s8  }
0xaf: {  	s8 =	sor.u32 s8, s9  }
0xb0: {  	s8 =	sshrl.u32 s8, $0x3  }
0xb1: {  	s15 =	rddreg [dreg:$0x15];
	s8 =	sadd.s32 s3, s8  }
0xb2: {  	[tilespmem:s15], [sflag:$0x1] =	stream.linear.gather [hbm4b:s8+s2], $0x80, $0x38;
	[tilespmem:$0x3080] =	vst v63  }
0xb3: {  	s16 =	rddreg [dreg:$0x16];
	s19 =	spop (v2sf);
	s17 =	sadd.s32 $0x80, s8  }
0xb4: {  	[tilespmem:s16], [sflag:$0x1] =	stream.linear.gather [hbm4b:s17+s2], $0x80, $0x38;
	[tilespmem:$0x3080] =	vst v63  }
0xb5: {  	s18 =	rddreg [dreg:$0x17];
	s20 =	sshrl.u32 s19, $0x3;
	s8 =	sadd.s32 $0x100, s8  }
0xb6: {  	[tilespmem:s18], [sflag:$0x1] =	stream.linear.gather [hbm4b:s8+s2], $0x80, $0x38;
	[tilespmem:$0x3080] =	vst v63  }
0xb7: {  	s9 =	smul.u32 $0xC00, s20;
	s8 =	sshll.u32 s19, $0x7  }
0xb8: {  	(v2sf) =	vpush v1, $0x9;
	s8 =	sand.u32 $0x380, s8  }
0xb9: {  	s8 =	sor.u32 s8, s9  }
0xba: {  	s8 =	sshrl.u32 s8, $0x3  }
0xbb: {  	s21 =	rddreg [dreg:$0x18];
	s8 =	sadd.s32 s3, s8  }
0xbc: {  	[tilespmem:s21], [sflag:$0x1] =	stream.linear.gather [hbm4b:s8+s2], $0x80, $0x38;
	[tilespmem:$0x3080] =	vst v63  }
0xbd: {  	s22 =	rddreg [dreg:$0x19];
	s25 =	spop (v2sf);
	s23 =	sadd.s32 $0x80, s8  }
0xbe: {  	[tilespmem:s22], [sflag:$0x1] =	stream.linear.gather [hbm4b:s23+s2], $0x80, $0x38;
	[tilespmem:$0x3080] =	vst v63  }
0xbf: {  	s24 =	rddreg [dreg:$0x1a];
	s26 =	sshrl.u32 s25, $0x3;
	s8 =	sadd.s32 $0x100, s8  }
0xc0: {  	[tilespmem:s24], [sflag:$0x1] =	stream.linear.gather [hbm4b:s8+s2], $0x80, $0x38;
	[tilespmem:$0x3080] =	vst v63  }
0xc1: {  	s9 =	smul.u32 $0xC00, s26;
	s8 =	sshll.u32 s25, $0x7  }
0xc2: {  	(v2sf) =	vpush v1, $0xA;
	s8 =	sand.u32 $0x380, s8  }
0xc3: {  	s8 =	sor.u32 s8, s9  }
0xc4: {  	s8 =	sshrl.u32 s8, $0x3  }
0xc5: {  	s28 =	rddreg [dreg:$0x1b];
	s8 =	sadd.s32 s3, s8  }
0xc6: {  	[tilespmem:s28], [sflag:$0x1] =	stream.linear.gather [hbm4b:s8+s2], $0x80, $0x38;
	[tilespmem:$0x3080] =	vst v63  }
0xc7: {  	s29 =	rddreg [dreg:$0x1c];
	s12 =	spop (v2sf);
	s30 =	sadd.s32 $0x80, s8  }
0xc8: {  	[tilespmem:s29], [sflag:$0x1] =	stream.linear.gather [hbm4b:s30+s2], $0x80, $0x38;
	[tilespmem:$0x3080] =	vst v63  }
0xc9: {  	s31 =	rddreg [dreg:$0x1d];
	s13 =	sshrl.u32 s12, $0x3;
	s8 =	sadd.s32 $0x100, s8  }
0xca: {  	[tilespmem:s31], [sflag:$0x1] =	stream.linear.gather [hbm4b:s8+s2], $0x80, $0x38;
	[tilespmem:$0x3080] =	vst v63  }
0xcb: {  	s9 =	smul.u32 $0xC00, s13;
	s8 =	sshll.u32 s12, $0x7  }
0xcc: {  	(v2sf) =	vpush v1, $0xB;
	s8 =	sand.u32 $0x380, s8  }
0xcd: {  	s8 =	sor.u32 s8, s9  }
0xce: {  	s14 =	rddreg [dreg:$0x1e];
	s8 =	sshrl.u32 s8, $0x3  }
0xcf: {  	s15 =	rddreg [dreg:$0x1f];
	s8 =	sadd.s32 s3, s8  }
0xd0: {  	[tilespmem:s14], [sflag:$0x1] =	stream.linear.gather [hbm4b:s8+s2], $0x80, $0x38;
	[tilespmem:$0x3080] =	vst v63  }
0xd1: {  	s17 =	sld [smem:$0x7BB];
	s18 =	spop (v2sf);
	s16 =	sadd.s32 $0x80, s8  }
0xd2: {  	[tilespmem:s15], [sflag:$0x1] =	stream.linear.gather [hbm4b:s16+s2], $0x80, $0x38;
	[tilespmem:$0x3080] =	vst v63  }
0xd3: {  	s19 =	sshrl.u32 s18, $0x3;
	s8 =	sadd.s32 $0x100, s8  }
0xd4: {  	[tilespmem:s17], [sflag:$0x1] =	stream.linear.gather [hbm4b:s8+s2], $0x80, $0x38;
	[tilespmem:$0x3080] =	vst v63  }
0xd5: {  	s9 =	smul.u32 $0xC00, s19;
	s8 =	sshll.u32 s18, $0x7  }
0xd6: {  	(v2sf) =	vpush v1, $0xC;
	s8 =	sand.u32 $0x380, s8  }
0xd7: {  	s20 =	sld [smem:$0x7BC];
	s8 =	sor.u32 s8, s9  }
0xd8: {  	s8 =	sshrl.u32 s8, $0x3  }
0xd9: {  	s21 =	sld [smem:$0x7BD];
	s8 =	sadd.s32 s3, s8  }
0xda: {  	[tilespmem:s20], [sflag:$0x1] =	stream.linear.gather [hbm4b:s8+s2], $0x80, $0x38;
	[tilespmem:$0x3080] =	vst v63  }
0xdb: {  	s23 =	sld [smem:$0x7BE];
	s24 =	spop (v2sf);
	s22 =	sadd.s32 $0x80, s8  }
0xdc: {  	[tilespmem:s21], [sflag:$0x1] =	stream.linear.gather [hbm4b:s22+s2], $0x80, $0x38;
	[tilespmem:$0x3080] =	vst v63  }
0xdd: {  	s25 =	sshrl.u32 s24, $0x3;
	s8 =	sadd.s32 $0x100, s8  }
0xde: {  	[tilespmem:s23], [sflag:$0x1] =	stream.linear.gather [hbm4b:s8+s2], $0x80, $0x38;
	[tilespmem:$0x3080] =	vst v63  }
0xdf: {  	s9 =	smul.u32 $0xC00, s25;
	s8 =	sshll.u32 s24, $0x7  }
0xe0: {  	(v2sf) =	vpush v1, $0xD;
	s8 =	sand.u32 $0x380, s8  }
0xe1: {  	s26 =	sld [smem:$0x7BF];
	s8 =	sor.u32 s8, s9  }
0xe2: {  	s8 =	sshrl.u32 s8, $0x3  }
0xe3: {  	s28 =	sld [smem:$0x7C0];
	s8 =	sadd.s32 s3, s8  }
0xe4: {  	[tilespmem:s26], [sflag:$0x1] =	stream.linear.gather [hbm4b:s8+s2], $0x80, $0x38;
	[tilespmem:$0x3080] =	vst v63  }
0xe5: {  	s30 =	sld [smem:$0x7C1];
	s31 =	spop (v2sf);
	s29 =	sadd.s32 $0x80, s8  }
0xe6: {  	[tilespmem:s28], [sflag:$0x1] =	stream.linear.gather [hbm4b:s29+s2], $0x80, $0x38;
	[tilespmem:$0x3080] =	vst v63  }
0xe7: {  	s10 =	sshrl.u32 s31, $0x3;
	s8 =	sadd.s32 $0x100, s8  }
0xe8: {  	[tilespmem:s30], [sflag:$0x1] =	stream.linear.gather [hbm4b:s8+s2], $0x80, $0x38;
	[tilespmem:$0x3080] =	vst v63  }
0xe9: {  	s9 =	smul.u32 $0xC00, s10;
	s8 =	sshll.u32 s31, $0x7  }
0xea: {  	(v2sf) =	vpush v1, $0xE;
	s8 =	sand.u32 $0x380, s8  }
0xeb: {  	s11 =	sld [smem:$0x7C2];
	s8 =	sor.u32 s8, s9  }
0xec: {  	s8 =	sshrl.u32 s8, $0x3  }
0xed: {  	s12 =	sld [smem:$0x7C3];
	s8 =	sadd.s32 s3, s8  }
0xee: {  	[tilespmem:s11], [sflag:$0x1] =	stream.linear.gather [hbm4b:s8+s2], $0x80, $0x38;
	[tilespmem:$0x3080] =	vst v63  }
0xef: {  	s14 =	sld [smem:$0x7C4];
	s15 =	spop (v2sf);
	s13 =	sadd.s32 $0x80, s8  }
0xf0: {  	[tilespmem:s12], [sflag:$0x1] =	stream.linear.gather [hbm4b:s13+s2], $0x80, $0x38;
	[tilespmem:$0x3080] =	vst v63  }
0xf1: {  	s16 =	sshrl.u32 s15, $0x3;
	s8 =	sadd.s32 $0x100, s8  }
0xf2: {  	[tilespmem:s14], [sflag:$0x1] =	stream.linear.gather [hbm4b:s8+s2], $0x80, $0x38;
	[tilespmem:$0x3080] =	vst v63  }
0xf3: {  	s9 =	smul.u32 $0xC00, s16;
	s8 =	sshll.u32 s15, $0x7  }
0xf4: {  	(v2sf) =	vpush v1, $0xF;
	s8 =	sand.u32 $0x380, s8  }
0xf5: {  	s17 =	sld [smem:$0x7C5];
	s8 =	sor.u32 s8, s9  }
0xf6: {  	s8 =	sshrl.u32 s8, $0x3  }
0xf7: {  	s18 =	sld [smem:$0x7C6];
	s8 =	sadd.s32 s3, s8  }
0xf8: {  	[tilespmem:s17], [sflag:$0x1] =	stream.linear.gather [hbm4b:s8+s2], $0x80, $0x38;
	[tilespmem:$0x3080] =	vst v63  }
0xf9: {  	s20 =	sld [smem:$0x7C7];
	s21 =	spop (v2sf);
	s19 =	sadd.s32 $0x80, s8  }
0xfa: {  	[tilespmem:s18], [sflag:$0x1] =	stream.linear.gather [hbm4b:s19+s2], $0x80, $0x38;
	[tilespmem:$0x3080] =	vst v63  }
0xfb: {  	s22 =	sshrl.u32 s21, $0x3;
	s8 =	sadd.s32 $0x100, s8  }
0xfc: {  	[tilespmem:s20], [sflag:$0x1] =	stream.linear.gather [hbm4b:s8+s2], $0x80, $0x38;
	[tilespmem:$0x3080] =	vst v63  }
0xfd: {  	s9 =	smul.u32 $0xC00, s22;
	s8 =	sshll.u32 s21, $0x7  }
0xfe: {  	(v2sf) =	vpush v0, $0x0;
	s8 =	sand.u32 $0x380, s8  }
0xff: {  	s23 =	sld [smem:$0x7C8];
	s8 =	sor.u32 s8, s9  }
0x100: {  	s8 =	sshrl.u32 s8, $0x3  }
0x101: {  	s24 =	sld [smem:$0x7C9];
	s8 =	sadd.s32 s3, s8  }
0x102: {  	[tilespmem:s23], [sflag:$0x1] =	stream.linear.gather [hbm4b:s8+s2], $0x80, $0x38;
	[tilespmem:$0x3080] =	vst v63  }
0x103: {  	s26 =	sld [smem:$0x7CA];
	s28 =	spop (v2sf);
	s25 =	sadd.s32 $0x80, s8  }
0x104: {  	[tilespmem:s24], [sflag:$0x1] =	stream.linear.gather [hbm4b:s25+s2], $0x80, $0x38;
	[tilespmem:$0x3080] =	vst v63  }
0x105: {  	s29 =	sshrl.u32 s28, $0x3;
	s8 =	sadd.s32 $0x100, s8  }
0x106: {  	[tilespmem:s26], [sflag:$0x1] =	stream.linear.gather [hbm4b:s8+s2], $0x80, $0x38;
	[tilespmem:$0x3080] =	vst v63  }
0x107: {  	s9 =	smul.u32 $0xC00, s29;
	s8 =	sshll.u32 s28, $0x7  }
0x108: {  	(v2sf) =	vpush v0, $0x1;
	s8 =	sand.u32 $0x380, s8  }
0x109: {  	s30 =	sld [smem:$0x7CB];
	s8 =	sor.u32 s8, s9  }
0x10a: {  	s8 =	sshrl.u32 s8, $0x3  }
0x10b: {  	s31 =	sld [smem:$0x7CC];
	s8 =	sadd.s32 s3, s8  }
0x10c: {  	[tilespmem:s30], [sflag:$0x1] =	stream.linear.gather [hbm4b:s8+s2], $0x80, $0x38;
	[tilespmem:$0x3080] =	vst v63  }
0x10d: {  	s12 =	sld [smem:$0x7CD];
	s13 =	spop (v2sf);
	s11 =	sadd.s32 $0x80, s8  }
0x10e: {  	[tilespmem:s31], [sflag:$0x1] =	stream.linear.gather [hbm4b:s11+s2], $0x80, $0x38;
	[tilespmem:$0x3080] =	vst v63  }
0x10f: {  	s14 =	sshrl.u32 s13, $0x3;
	s8 =	sadd.s32 $0x100, s8  }
0x110: {  	[tilespmem:s12], [sflag:$0x1] =	stream.linear.gather [hbm4b:s8+s2], $0x80, $0x38;
	[tilespmem:$0x3080] =	vst v63  }
0x111: {  	s9 =	smul.u32 $0xC00, s14;
	s8 =	sshll.u32 s13, $0x7  }
0x112: {  	(v2sf) =	vpush v0, $0x2;
	s8 =	sand.u32 $0x380, s8  }
0x113: {  	s15 =	sld [smem:$0x7CE];
	s8 =	sor.u32 s8, s9  }
0x114: {  	s8 =	sshrl.u32 s8, $0x3  }
0x115: {  	s16 =	sld [smem:$0x7CF];
	s8 =	sadd.s32 s3, s8  }
0x116: {  	[tilespmem:s15], [sflag:$0x1] =	stream.linear.gather [hbm4b:s8+s2], $0x80, $0x38;
	[tilespmem:$0x3080] =	vst v63  }
0x117: {  	s18 =	sld [smem:$0x7D0];
	s19 =	spop (v2sf);
	s17 =	sadd.s32 $0x80, s8  }
0x118: {  	[tilespmem:s16], [sflag:$0x1] =	stream.linear.gather [hbm4b:s17+s2], $0x80, $0x38;
	[tilespmem:$0x3080] =	vst v63  }
0x119: {  	s20 =	sshrl.u32 s19, $0x3;
	s8 =	sadd.s32 $0x100, s8  }
0x11a: {  	[tilespmem:s18], [sflag:$0x1] =	stream.linear.gather [hbm4b:s8+s2], $0x80, $0x38;
	[tilespmem:$0x3080] =	vst v63  }
0x11b: {  	s9 =	smul.u32 $0xC00, s20;
	s8 =	sshll.u32 s19, $0x7  }
0x11c: {  	(v2sf) =	vpush v0, $0x3;
	s8 =	sand.u32 $0x380, s8  }
0x11d: {  	s21 =	sld [smem:$0x7D1];
	s8 =	sor.u32 s8, s9  }
0x11e: {  	s8 =	sshrl.u32 s8, $0x3  }
0x11f: {  	s22 =	sld [smem:$0x7D2];
	s8 =	sadd.s32 s3, s8  }
0x120: {  	[tilespmem:s21], [sflag:$0x1] =	stream.linear.gather [hbm4b:s8+s2], $0x80, $0x38;
	[tilespmem:$0x3080] =	vst v63  }
0x121: {  	s24 =	sld [smem:$0x7D3];
	s25 =	spop (v2sf);
	s23 =	sadd.s32 $0x80, s8  }
0x122: {  	[tilespmem:s22], [sflag:$0x1] =	stream.linear.gather [hbm4b:s23+s2], $0x80, $0x38;
	[tilespmem:$0x3080] =	vst v63  }
0x123: {  	s26 =	sshrl.u32 s25, $0x3;
	s8 =	sadd.s32 $0x100, s8  }
0x124: {  	[tilespmem:s24], [sflag:$0x1] =	stream.linear.gather [hbm4b:s8+s2], $0x80, $0x38;
	[tilespmem:$0x3080] =	vst v63  }
0x125: {  	s9 =	smul.u32 $0xC00, s26;
	s8 =	sshll.u32 s25, $0x7  }
0x126: {  	(v2sf) =	vpush v0, $0x4;
	s8 =	sand.u32 $0x380, s8  }
0x127: {  	s28 =	sld [smem:$0x7D4];
	s8 =	sor.u32 s8, s9  }
0x128: {  	s8 =	sshrl.u32 s8, $0x3  }
0x129: {  	s29 =	sld [smem:$0x7D5];
	s8 =	sadd.s32 s3, s8  }
0x12a: {  	[tilespmem:s28], [sflag:$0x1] =	stream.linear.gather [hbm4b:s8+s2], $0x80, $0x38;
	[tilespmem:$0x3080] =	vst v63  }
0x12b: {  	s31 =	sld [smem:$0x7D6];
	s12 =	spop (v2sf);
	s30 =	sadd.s32 $0x80, s8  }
0x12c: {  	[tilespmem:s29], [sflag:$0x1] =	stream.linear.gather [hbm4b:s30+s2], $0x80, $0x38;
	[tilespmem:$0x3080] =	vst v63  }
0x12d: {  	s13 =	sshrl.u32 s12, $0x3;
	s8 =	sadd.s32 $0x100, s8  }
0x12e: {  	[tilespmem:s31], [sflag:$0x1] =	stream.linear.gather [hbm4b:s8+s2], $0x80, $0x38;
	[tilespmem:$0x3080] =	vst v63  }
0x12f: {  	s9 =	smul.u32 $0xC00, s13;
	s8 =	sshll.u32 s12, $0x7  }
0x130: {  	(v2sf) =	vpush v0, $0x5;
	s8 =	sand.u32 $0x380, s8  }
0x131: {  	s14 =	sld [smem:$0x7D7];
	s8 =	sor.u32 s8, s9  }
0x132: {  	s8 =	sshrl.u32 s8, $0x3  }
0x133: {  	s15 =	sld [smem:$0x7D8];
	s8 =	sadd.s32 s3, s8  }
0x134: {  	[tilespmem:s14], [sflag:$0x1] =	stream.linear.gather [hbm4b:s8+s2], $0x80, $0x38;
	[tilespmem:$0x3080] =	vst v63  }
0x135: {  	s17 =	sld [smem:$0x7D9];
	s18 =	spop (v2sf);
	s16 =	sadd.s32 $0x80, s8  }
0x136: {  	[tilespmem:s15], [sflag:$0x1] =	stream.linear.gather [hbm4b:s16+s2], $0x80, $0x38;
	[tilespmem:$0x3080] =	vst v63  }
0x137: {  	s19 =	sshrl.u32 s18, $0x3;
	s8 =	sadd.s32 $0x100, s8  }
0x138: {  	[tilespmem:s17], [sflag:$0x1] =	stream.linear.gather [hbm4b:s8+s2], $0x80, $0x38;
	[tilespmem:$0x3080] =	vst v63  }
0x139: {  	s9 =	smul.u32 $0xC00, s19;
	s8 =	sshll.u32 s18, $0x7  }
0x13a: {  	(v2sf) =	vpush v0, $0x6;
	s8 =	sand.u32 $0x380, s8  }
0x13b: {  	s20 =	sld [smem:$0x7DA];
	s8 =	sor.u32 s8, s9  }
0x13c: {  	s8 =	sshrl.u32 s8, $0x3  }
0x13d: {  	s21 =	sld [smem:$0x7DB];
	s8 =	sadd.s32 s3, s8  }
0x13e: {  	[tilespmem:s20], [sflag:$0x1] =	stream.linear.gather [hbm4b:s8+s2], $0x80, $0x38;
	[tilespmem:$0x3080] =	vst v63  }
0x13f: {  	s23 =	sld [smem:$0x7DC];
	s24 =	spop (v2sf);
	s22 =	sadd.s32 $0x80, s8  }
0x140: {  	[tilespmem:s21], [sflag:$0x1] =	stream.linear.gather [hbm4b:s22+s2], $0x80, $0x38;
	[tilespmem:$0x3080] =	vst v63  }
0x141: {  	s25 =	sshrl.u32 s24, $0x3;
	s8 =	sadd.s32 $0x100, s8  }
0x142: {  	[tilespmem:s23], [sflag:$0x1] =	stream.linear.gather [hbm4b:s8+s2], $0x80, $0x38;
	[tilespmem:$0x3080] =	vst v63  }
0x143: {  	s9 =	smul.u32 $0xC00, s25;
	s8 =	sshll.u32 s24, $0x7  }
0x144: {  	(v2sf) =	vpush v0, $0x7;
	s8 =	sand.u32 $0x380, s8  }
0x145: {  	s26 =	sld [smem:$0x7DD];
	s8 =	sor.u32 s8, s9  }
0x146: {  	s8 =	sshrl.u32 s8, $0x3  }
0x147: {  	s28 =	sld [smem:$0x7DE];
	s8 =	sadd.s32 s3, s8  }
0x148: {  	[tilespmem:s26], [sflag:$0x1] =	stream.linear.gather [hbm4b:s8+s2], $0x80, $0x38;
	[tilespmem:$0x3080] =	vst v63  }
0x149: {  	s30 =	sld [smem:$0x7DF];
	s31 =	spop (v2sf);
	s29 =	sadd.s32 $0x80, s8  }
0x14a: {  	[tilespmem:s28], [sflag:$0x1] =	stream.linear.gather [hbm4b:s29+s2], $0x80, $0x38;
	[tilespmem:$0x3080] =	vst v63  }
0x14b: {  	s10 =	sshrl.u32 s31, $0x3;
	s8 =	sadd.s32 $0x100, s8  }
0x14c: {  	[tilespmem:s30], [sflag:$0x1] =	stream.linear.gather [hbm4b:s8+s2], $0x80, $0x38;
	[tilespmem:$0x3080] =	vst v63  }
0x14d: {  	s9 =	smul.u32 $0xC00, s10;
	s8 =	sshll.u32 s31, $0x7  }
0x14e: {  	(v2sf) =	vpush v0, $0x8;
	s8 =	sand.u32 $0x380, s8  }
0x14f: {  	s11 =	sld [smem:$0x7E0];
	s8 =	sor.u32 s8, s9  }
0x150: {  	s8 =	sshrl.u32 s8, $0x3  }
0x151: {  	s12 =	sld [smem:$0x7E1];
	s8 =	sadd.s32 s3, s8  }
0x152: {  	[tilespmem:s11], [sflag:$0x1] =	stream.linear.gather [hbm4b:s8+s2], $0x80, $0x38;
	[tilespmem:$0x3080] =	vst v63  }
0x153: {  	s14 =	sld [smem:$0x7E2];
	s15 =	spop (v2sf);
	s13 =	sadd.s32 $0x80, s8  }
0x154: {  	[tilespmem:s12], [sflag:$0x1] =	stream.linear.gather [hbm4b:s13+s2], $0x80, $0x38;
	[tilespmem:$0x3080] =	vst v63  }
0x155: {  	s16 =	sshrl.u32 s15, $0x3;
	s8 =	sadd.s32 $0x100, s8  }
0x156: {  	[tilespmem:s14], [sflag:$0x1] =	stream.linear.gather [hbm4b:s8+s2], $0x80, $0x38;
	[tilespmem:$0x3080] =	vst v63  }
0x157: {  	s9 =	smul.u32 $0xC00, s16;
	s8 =	sshll.u32 s15, $0x7  }
0x158: {  	(v2sf) =	vpush v0, $0x9;
	s8 =	sand.u32 $0x380, s8  }
0x159: {  	s17 =	sld [smem:$0x7E3];
	s8 =	sor.u32 s8, s9  }
0x15a: {  	s8 =	sshrl.u32 s8, $0x3  }
0x15b: {  	s18 =	sld [smem:$0x7E4];
	s8 =	sadd.s32 s3, s8  }
0x15c: {  	[tilespmem:s17], [sflag:$0x1] =	stream.linear.gather [hbm4b:s8+s2], $0x80, $0x38;
	[tilespmem:$0x3080] =	vst v63  }
0x15d: {  	s20 =	sld [smem:$0x7E5];
	s21 =	spop (v2sf);
	s19 =	sadd.s32 $0x80, s8  }
0x15e: {  	[tilespmem:s18], [sflag:$0x1] =	stream.linear.gather [hbm4b:s19+s2], $0x80, $0x38;
	[tilespmem:$0x3080] =	vst v63  }
0x15f: {  	s22 =	sshrl.u32 s21, $0x3;
	s8 =	sadd.s32 $0x100, s8  }
0x160: {  	[tilespmem:s20], [sflag:$0x1] =	stream.linear.gather [hbm4b:s8+s2], $0x80, $0x38;
	[tilespmem:$0x3080] =	vst v63  }
0x161: {  	s9 =	smul.u32 $0xC00, s22;
	s8 =	sshll.u32 s21, $0x7  }
0x162: {  	(v2sf) =	vpush v0, $0xA;
	s8 =	sand.u32 $0x380, s8  }
0x163: {  	s23 =	sld [smem:$0x7E6];
	s8 =	sor.u32 s8, s9  }
0x164: {  	s8 =	sshrl.u32 s8, $0x3  }
0x165: {  	s24 =	sld [smem:$0x7E7];
	s8 =	sadd.s32 s3, s8  }
0x166: {  	[tilespmem:s23], [sflag:$0x1] =	stream.linear.gather [hbm4b:s8+s2], $0x80, $0x38;
	[tilespmem:$0x3080] =	vst v63  }
0x167: {  	s26 =	sld [smem:$0x7E8];
	s28 =	spop (v2sf);
	s25 =	sadd.s32 $0x80, s8  }
0x168: {  	[tilespmem:s24], [sflag:$0x1] =	stream.linear.gather [hbm4b:s25+s2], $0x80, $0x38;
	[tilespmem:$0x3080] =	vst v63  }
0x169: {  	s29 =	sshrl.u32 s28, $0x3;
	s8 =	sadd.s32 $0x100, s8  }
0x16a: {  	[tilespmem:s26], [sflag:$0x1] =	stream.linear.gather [hbm4b:s8+s2], $0x80, $0x38;
	[tilespmem:$0x3080] =	vst v63  }
0x16b: {  	s9 =	smul.u32 $0xC00, s29;
	s8 =	sshll.u32 s28, $0x7  }
0x16c: {  	(v2sf) =	vpush v0, $0xB;
	s8 =	sand.u32 $0x380, s8  }
0x16d: {  	s30 =	sld [smem:$0x7E9];
	s8 =	sor.u32 s8, s9  }
0x16e: {  	s8 =	sshrl.u32 s8, $0x3  }
0x16f: {  	s31 =	sld [smem:$0x7EA];
	s8 =	sadd.s32 s3, s8  }
0x170: {  	[tilespmem:s30], [sflag:$0x1] =	stream.linear.gather [hbm4b:s8+s2], $0x80, $0x38;
	[tilespmem:$0x3080] =	vst v63  }
0x171: {  	s12 =	sld [smem:$0x7EB];
	s13 =	spop (v2sf);
	s11 =	sadd.s32 $0x80, s8  }
0x172: {  	[tilespmem:s31], [sflag:$0x1] =	stream.linear.gather [hbm4b:s11+s2], $0x80, $0x38;
	[tilespmem:$0x3080] =	vst v63  }
0x173: {  	s14 =	sshrl.u32 s13, $0x3;
	s8 =	sadd.s32 $0x100, s8  }
0x174: {  	[tilespmem:s12], [sflag:$0x1] =	stream.linear.gather [hbm4b:s8+s2], $0x80, $0x38;
	[tilespmem:$0x3080] =	vst v63  }
0x175: {  	s9 =	smul.u32 $0xC00, s14;
	s8 =	sshll.u32 s13, $0x7  }
0x176: {  	(v2sf) =	vpush v0, $0xC;
	s8 =	sand.u32 $0x380, s8  }
0x177: {  	s15 =	sld [smem:$0x7EC];
	s8 =	sor.u32 s8, s9  }
0x178: {  	s8 =	sshrl.u32 s8, $0x3  }
0x179: {  	s16 =	sld [smem:$0x7ED];
	s8 =	sadd.s32 s3, s8  }
0x17a: {  	[tilespmem:s15], [sflag:$0x1] =	stream.linear.gather [hbm4b:s8+s2], $0x80, $0x38;
	[tilespmem:$0x3080] =	vst v63  }
0x17b: {  	s18 =	sld [smem:$0x7EE];
	s19 =	spop (v2sf);
	s17 =	sadd.s32 $0x80, s8  }
0x17c: {  	[tilespmem:s16], [sflag:$0x1] =	stream.linear.gather [hbm4b:s17+s2], $0x80, $0x38;
	[tilespmem:$0x3080] =	vst v63  }
0x17d: {  	s20 =	sshrl.u32 s19, $0x3;
	s8 =	sadd.s32 $0x100, s8  }
0x17e: {  	[tilespmem:s18], [sflag:$0x1] =	stream.linear.gather [hbm4b:s8+s2], $0x80, $0x38;
	[tilespmem:$0x3080] =	vst v63  }
0x17f: {  	s9 =	smul.u32 $0xC00, s20;
	s8 =	sshll.u32 s19, $0x7  }
0x180: {  	(v2sf) =	vpush v0, $0xD;
	s8 =	sand.u32 $0x380, s8  }
0x181: {  	s21 =	sld [smem:$0x7EF];
	s8 =	sor.u32 s8, s9  }
0x182: {  	s8 =	sshrl.u32 s8, $0x3  }
0x183: {  	s22 =	sld [smem:$0x7F0];
	s8 =	sadd.s32 s3, s8  }
0x184: {  	[tilespmem:s21], [sflag:$0x1] =	stream.linear.gather [hbm4b:s8+s2], $0x80, $0x38;
	[tilespmem:$0x3080] =	vst v63  }
0x185: {  	s24 =	sld [smem:$0x7F1];
	s25 =	spop (v2sf);
	s23 =	sadd.s32 $0x80, s8  }
0x186: {  	[tilespmem:s22], [sflag:$0x1] =	stream.linear.gather [hbm4b:s23+s2], $0x80, $0x38;
	[tilespmem:$0x3080] =	vst v63  }
0x187: {  	s26 =	sshrl.u32 s25, $0x3;
	s8 =	sadd.s32 $0x100, s8  }
0x188: {  	[tilespmem:s24], [sflag:$0x1] =	stream.linear.gather [hbm4b:s8+s2], $0x80, $0x38;
	[tilespmem:$0x3080] =	vst v63  }
0x189: {  	s9 =	smul.u32 $0xC00, s26;
	s8 =	sshll.u32 s25, $0x7  }
0x18a: {  	(v2sf) =	vpush v0, $0xE;
	s8 =	sand.u32 $0x380, s8  }
0x18b: {  	s28 =	sld [smem:$0x7F2];
	s8 =	sor.u32 s8, s9  }
0x18c: {  	s8 =	sshrl.u32 s8, $0x3  }
0x18d: {  	s29 =	sld [smem:$0x7F3];
	s8 =	sadd.s32 s3, s8  }
0x18e: {  	[tilespmem:s28], [sflag:$0x1] =	stream.linear.gather [hbm4b:s8+s2], $0x80, $0x38;
	[tilespmem:$0x3080] =	vst v63  }
0x18f: {  	s31 =	sld [smem:$0x7F4];
	s12 =	spop (v2sf);
	s30 =	sadd.s32 $0x80, s8  }
0x190: {  	[tilespmem:s29], [sflag:$0x1] =	stream.linear.gather [hbm4b:s30+s2], $0x80, $0x38;
	[tilespmem:$0x3080] =	vst v63  }
0x191: {  	s13 =	sshrl.u32 s12, $0x3;
	s8 =	sadd.s32 $0x100, s8  }
0x192: {  	[tilespmem:s31], [sflag:$0x1] =	stream.linear.gather [hbm4b:s8+s2], $0x80, $0x38;
	[tilespmem:$0x3080] =	vst v63  }
0x193: {  	s9 =	smul.u32 $0xC00, s13;
	s8 =	sshll.u32 s12, $0x7  }
0x194: {  	(v2sf) =	vpush v0, $0xF;
	s8 =	sand.u32 $0x380, s8  }
0x195: {  	s14 =	sld [smem:$0x7F5];
	s8 =	sor.u32 s8, s9  }
0x196: {  	s8 =	sshrl.u32 s8, $0x3  }
0x197: {  	s15 =	sld [smem:$0x7F6];
	s8 =	sadd.s32 s3, s8  }
0x198: {  	[tilespmem:s14], [sflag:$0x1] =	stream.linear.gather [hbm4b:s8+s2], $0x80, $0x38;
	[tilespmem:$0x3080] =	vst v63  }
0x199: {  	s17 =	sld [smem:$0x7F7];
	s18 =	spop (v2sf);
	s16 =	sadd.s32 $0x80, s8  }
0x19a: {  	[tilespmem:s15], [sflag:$0x1] =	stream.linear.gather [hbm4b:s16+s2], $0x80, $0x38;
	[tilespmem:$0x3080] =	vst v63  }
0x19b: {  	s19 =	sshrl.u32 s18, $0x3;
	s8 =	sadd.s32 $0x100, s8  }
0x19c: {  	[tilespmem:s17], [sflag:$0x1] =	stream.linear.gather [hbm4b:s8+s2], $0x80, $0x38;
	[tilespmem:$0x3080] =	vst v63  }
0x19d: {  	s9 =	sshll.u32 s18, $0x7;
	s8 =	smul.u32 $0xC00, s19  }
0x19e: {  	s9 =	sand.u32 $0x380, s9  }
0x19f: {  	s20 =	sld [smem:$0x7F8];
	s8 =	sor.u32 s9, s8  }
0x1a0: {  	s8 =	sshrl.u32 s8, $0x3  }
0x1a1: {  	s21 =	sld [smem:$0x7F9];
	s8 =	sadd.s32 s3, s8  }
0x1a2: {  	[tilespmem:s20], [sflag:$0x1] =	stream.linear.gather [hbm4b:s8+s2], $0x80, $0x38;
	[tilespmem:$0x3080] =	vst v63  }
0x1a3: {  	s23 =	sld [smem:$0x7FA];
	s24 =	spop (v2sf);
	s22 =	sadd.s32 $0x80, s8  }
0x1a4: {  	[tilespmem:s21], [sflag:$0x1] =	stream.linear.gather [hbm4b:s22+s2], $0x80, $0x38;
	[tilespmem:$0x3080] =	vst v63  }
0x1a5: {  	s25 =	sshrl.u32 s24, $0x3;
	s8 =	sadd.s32 $0x100, s8  }
0x1a6: {  	[tilespmem:s23], [sflag:$0x1] =	stream.linear.gather [hbm4b:s8+s2], $0x80, $0x38;
	[tilespmem:$0x3080] =	vst v63  }
0x1a7: {  	s9 =	smul.u32 $0xC00, s25;
	s8 =	sshll.u32 s24, $0x7  }
0x1a8: {  	s8 =	sand.u32 $0x380, s8  }
0x1a9: {  	s26 =	sld [smem:$0x7FB];
	s8 =	sor.u32 s8, s9  }
0x1aa: {  	s8 =	sshrl.u32 s8, $0x3  }
0x1ab: {  	s28 =	sld [smem:$0x7FC];
	s8 =	sadd.s32 s3, s8  }
0x1ac: {  	[tilespmem:s26], [sflag:$0x1] =	stream.linear.gather [hbm4b:s8+s2], $0x80, $0x38;
	[tilespmem:$0x3080] =	vst v63  }
0x1ad: {  	s30 =	sld [smem:$0x7FD];
	s29 =	sadd.s32 $0x80, s8  }
0x1ae: {  	[tilespmem:s28], [sflag:$0x1] =	stream.linear.gather [hbm4b:s29+s2], $0x80, $0x38;
	[tilespmem:$0x3080] =	vst v63  }
0x1af: {  	s8 =	sadd.s32 $0x100, s8  }
0x1b0: {  	[tilespmem:s30], [sflag:$0x1] =	stream.linear.gather [hbm4b:s8+s2], $0x80, $0x38;
	[tilespmem:$0x3080] =	vst v63  }
0x1b1: {  	_ =	swait.ge [sflag:s7], $0x180  }
0x1b2: {  	[sflag:s7] =	ssyncset.done $0x0  }
0x1b3: {  	[sflag:s7] =	ssyncadd.s32 $0xFFFFFE80  }
0x1b4: {  	_ =	swait.ge [sflag:s7], $0x180  }
0x1b5: {  	[sflag:s7] =	ssyncset.done $0x0  }
0x1b6: {  	[sflag:s7] =	ssyncadd.s32 $0xFFFFFE80  }
0x1b7: {  	_ =	swait.ge [sflag:s7], $0x180  }
0x1b8: {  	[sflag:s7] =	ssyncset.done $0x0  }
0x1b9: {  	[sflag:s7] =	ssyncadd.s32 $0xFFFFFE80  }
0x1ba: {  	_ =	swait.ge [sflag:s7], $0x180  }
0x1bb: {  	[sflag:s7] =	ssyncset.done $0x0  }
0x1bc: {  	[sflag:s7] =	ssyncadd.s32 $0xFFFFFE80  }
0x1bd: {  	_ =	swait.ge [sflag:s7], $0x180  }
0x1be: {  	[sflag:s7] =	ssyncset.done $0x0  }
0x1bf: {  	[sflag:s7] =	ssyncadd.s32 $0xFFFFFE80  }
0x1c0: {  	_ =	swait.ge [sflag:s7], $0x180  }
0x1c1: {  	[sflag:s7] =	ssyncset.done $0x0  }
0x1c2: {  	[sflag:s7] =	ssyncadd.s32 $0xFFFFFE80  }
0x1c3: {  	_ =	swait.ge [sflag:s7], $0x180  }
0x1c4: {  	[sflag:s7] =	ssyncset.done $0x0  }
0x1c5: {  	[sflag:s7] =	ssyncadd.s32 $0xFFFFFE80  }
0x1c6: {  	_ =	swait.ge [sflag:s7], $0x180  }
0x1c7: {  	[sflag:s7] =	ssyncset.done $0x0  }
0x1c8: {  	[sflag:s7] =	ssyncadd.s32 $0xFFFFFE80  }
0x1c9: {  	_ =	swait.ge [sflag:s7], $0x180  }
0x1ca: {  	[sflag:s7] =	ssyncset.done $0x0  }
0x1cb: {  	[sflag:s7] =	ssyncadd.s32 $0xFFFFFE80  }
0x1cc: {  	_ =	swait.ge [sflag:s7], $0x180  }
0x1cd: {  	[sflag:s7] =	ssyncset.done $0x0  }
0x1ce: {  	[sflag:s7] =	ssyncadd.s32 $0xFFFFFE80  }
0x1cf: {  	_ =	swait.ge [sflag:s7], $0x180  }
0x1d0: {  	[sflag:s7] =	ssyncset.done $0x0  }
0x1d1: {  	[sflag:s7] =	ssyncadd.s32 $0xFFFFFE80  }
0x1d2: {  	_ =	swait.ge [sflag:s7], $0x180  }
0x1d3: {  	[sflag:s7] =	ssyncset.done $0x0  }
0x1d4: {  	[sflag:s7] =	ssyncadd.s32 $0xFFFFFE80  }
0x1d5: {  	_ =	swait.ge [sflag:s7], $0x180  }
0x1d6: {  	[sflag:s7] =	ssyncset.done $0x0  }
0x1d7: {  	[sflag:s7] =	ssyncadd.s32 $0xFFFFFE80  }
0x1d8: {  	_ =	swait.ge [sflag:s7], $0x180  }
0x1d9: {  	[sflag:s7] =	ssyncset.done $0x0  }
0x1da: {  	[sflag:s7] =	ssyncadd.s32 $0xFFFFFE80  }
0x1db: {  	_ =	swait.ge [sflag:s7], $0x180  }
0x1dc: {  	[sflag:s7] =	ssyncset.done $0x0  }
0x1dd: {  	[sflag:s7] =	ssyncadd.s32 $0xFFFFFE80  }
0x1de: {  	_ =	swait.ge [sflag:s7], $0x180  }
0x1df: {  	[sflag:s7] =	ssyncset.done $0x0  }
0x1e0: {  	[sflag:s7] =	ssyncadd.s32 $0xFFFFFE80  }
0x1e1: {  	_ =	swait.ge [sflag:s7], $0x180  }
0x1e2: {  	[sflag:s7] =	ssyncset.done $0x0  }
0x1e3: {  	[sflag:s7] =	ssyncadd.s32 $0xFFFFFE80  }
0x1e4: {  	_ =	swait.ge [sflag:s7], $0x180  }
0x1e5: {  	[sflag:s7] =	ssyncset.done $0x0  }
0x1e6: {  	[sflag:s7] =	ssyncadd.s32 $0xFFFFFE80  }
0x1e7: {  	_ =	swait.ge [sflag:s7], $0x180  }
0x1e8: {  	[sflag:s7] =	ssyncset.done $0x0  }
0x1e9: {  	[sflag:s7] =	ssyncadd.s32 $0xFFFFFE80  }
0x1ea: {  	_ =	swait.ge [sflag:s7], $0x180  }
0x1eb: {  	[sflag:s7] =	ssyncset.done $0x0  }
0x1ec: {  	[sflag:s7] =	ssyncadd.s32 $0xFFFFFE80  }
0x1ed: {  	_ =	swait.ge [sflag:s7], $0x180  }
0x1ee: {  	[sflag:s7] =	ssyncset.done $0x0  }
0x1ef: {  	[sflag:s7] =	ssyncadd.s32 $0xFFFFFE80  }
0x1f0: {  	_ =	swait.ge [sflag:s7], $0x180  }
0x1f1: {  	[sflag:s7] =	ssyncset.done $0x0  }
0x1f2: {  	[sflag:s7] =	ssyncadd.s32 $0xFFFFFE80  }
0x1f3: {  	_ =	swait.ge [sflag:s7], $0x180  }
0x1f4: {  	[sflag:s7] =	ssyncset.done $0x0  }
0x1f5: {  	[sflag:s7] =	ssyncadd.s32 $0xFFFFFE80  }
0x1f6: {  	_ =	swait.ge [sflag:s7], $0x180  }
0x1f7: {  	[sflag:s7] =	ssyncset.done $0x0  }
0x1f8: {  	[sflag:s7] =	ssyncadd.s32 $0xFFFFFE80  }
0x1f9: {  	_ =	swait.ge [sflag:s7], $0x180  }
0x1fa: {  	[sflag:s7] =	ssyncset.done $0x0  }
0x1fb: {  	[sflag:s7] =	ssyncadd.s32 $0xFFFFFE80  }
0x1fc: {  	_ =	swait.ge [sflag:s7], $0x180  }
0x1fd: {  	[sflag:s7] =	ssyncset.done $0x0  }
0x1fe: {  	[sflag:s7] =	ssyncadd.s32 $0xFFFFFE80  }
0x1ff: {  	_ =	swait.ge [sflag:s7], $0x180  }
0x200: {  	[sflag:s7] =	ssyncset.done $0x0  }
0x201: {  	[sflag:s7] =	ssyncadd.s32 $0xFFFFFE80  }
0x202: {  	_ =	swait.ge [sflag:s7], $0x180  }
0x203: {  	[sflag:s7] =	ssyncset.done $0x0  }
0x204: {  	[sflag:s7] =	ssyncadd.s32 $0xFFFFFE80  }
0x205: {  	_ =	swait.ge [sflag:s7], $0x180  }
0x206: {  	[sflag:s7] =	ssyncset.done $0x0  }
0x207: {  	[sflag:s7] =	ssyncadd.s32 $0xFFFFFE80  }
0x208: {  	_ =	swait.ge [sflag:s7], $0x180  }
0x209: {  	[sflag:s7] =	ssyncset.done $0x0  }
0x20a: {  	[sflag:s7] =	ssyncadd.s32 $0xFFFFFE80  }
0x20b: {  	_ =	swait.ge [sflag:s7], $0x180  }
0x20c: {  	[sflag:s7] =	ssyncset.done $0x0  }
0x20d: {  	[sflag:s7] =	ssyncadd.s32 $0xFFFFFE80  }
0x20e: {  	_ =	swait.ge [sflag:s7], $0x180  }
0x20f: {  	p0 =	sne.s32 s4, $0x1;
	[sflag:s7] =	ssyncset.done $0x0  }
.Ltmp0:
0x210: {  	s31 =	rddreg [dreg:$0x3];
	[sflag:s7] =	ssyncadd.s32 $0xFFFFFE80;
	(pc) =	sbr.rel @p0 .LBB2_1-.Ltmp0, $4  }
0x211: {  	[hbm4b:s31+s2] =	stream.linear.scatter [tilespmem:s6], [sflag:$0x2], $0x3000, $0x38;
	[tilespmem:$0x3080] =	vst v63  }
0x212: {  	_ =	swait.ge [sflag:s5], $0x3000  }
0x213: {  	[sflag:s5] =	ssyncset.done $0x0  }
0x214: {  	s4 =	sadd.s32 $0xFFFFFFFF, s4;
	[sflag:s5] =	ssyncadd.s32 $0xFFFFD000  }
0x215: {  	_ =	sfence.sel $0x180000  }
0x216: {  	[bflag:$0x0] =	sbarrier.arrive $0xFFFF  }
0x217: {  	p0 =	sne.s32 s0, $0x0;
	_ =	strace $0x90000047  }
0x218: {  	s0 =	sadd.s32 @!p0 $0x100000, s1;
	[bflag:$0x2] =	sbarrier.arrive $0xFFFF  }
0x219: {  	[sflag:s0] =	ssyncadd.tile.s32 @!p0 $0x1;
	_ =	shalt  }
.Lfunc_end2:
_tile_overlayer_lowered:
.L_overlay_start_2:
0x21a: {  	(tag) =	ssettag $0x2  }
0x21b: {  	s0 =	rddreg [dreg:$0x0];
	s2 =	stileid.u32  }
0x21c: {  	s1 =	rddreg [dreg:$0x1];
	p0 =	sne.s32 s2, $0x0  }
0x21d: {  	s3 =	rddreg [dreg:$0x2];
	[bflag:$0x3] =	sbarrier.arrive $0xFFFF;
	s2 =	simm.s32 @!p0 $0x1C02  }
0x21e: {  	[timem:s3], [sflag:s2] =	dma.local @!p0 [hbm:s0], s1  }
0x21f: {  	s0 =	simm.s32 @!p0 $0x2  }
0x220: {  	_ =	swait.ge @!p0 [sflag:s0], s1  }
0x221: {  	s1 =	ssub.s32 @!p0 $0x0, s1;
	[sflag:s0] =	ssyncset.done @!p0 $0x0  }
0x222: {  	[sflag:s0] =	ssyncadd.s32 @!p0 s1  }
0x223: {  	[bflag:$0x3] =	sbarrier.arrive $0xFFFF  }
0x224: {  	_ =	shalt  }

</sc_bundles>
